<compile_context>
chip_gen: v7x
topology: tpu7x:2x2x1
jax: 0.10.2.dev20260603
libtpu: 0.0.44.dev20260713+nightly
codegen_flags: <defaults>
</compile_context>

<pallas_src>
import functools

import jax
import jax.numpy as jnp
from jax import lax
from jax.experimental import pallas as pl
from jax.experimental.pallas import tpu as pltpu
from jax.experimental.pallas import tpu_sc as plsc


def _sc_gather(x2d, idx, n_rows, d_model):
    info = plsc.get_sparse_core_info()
    nw = info.num_cores * info.num_subcores
    rpw = n_rows // nw
    mesh = plsc.VectorSubcoreMesh(core_axis_name="c", subcore_axis_name="s")

    @functools.partial(
        pl.kernel,
        mesh=mesh,
        out_type=jax.ShapeDtypeStruct((n_rows, d_model), jnp.float32),
        scratch_types=[
            pltpu.VMEM((rpw,), jnp.int32),
            pltpu.VMEM((rpw, d_model), jnp.float32),
            pltpu.SemaphoreType.DMA,
        ],
    )
    def k(x_hbm, idx_hbm, out_hbm, idx_v, rows_v, sem):
        wid = lax.axis_index("s") * info.num_cores + lax.axis_index("c")
        base = wid * rpw
        pltpu.sync_copy(idx_hbm.at[pl.ds(base, rpw)], idx_v)
        pltpu.async_copy(x_hbm.at[idx_v], rows_v, sem).wait()
        pltpu.sync_copy(rows_v, out_hbm.at[pl.ds(base, rpw)])

    return k(x2d, idx)


_F_SPLIT = 2


def _tc_ffn_combine(inp, ew, idx, w1, w2, w3, seq_len):
    n_experts, cap, d_model = inp.shape
    f_dim = w1.shape[-1]
    f_blk = f_dim // _F_SPLIT

    def body(idx_ref, inp_ref, ew_ref, w1_ref, w2_ref, w3_ref, out_ref, acc):
        e = pl.program_id(0)
        f = pl.program_id(1)

        @pl.when((e == 0) & (f == 0))
        def _init():
            out_ref[...] = jnp.zeros_like(out_ref)

        xin = inp_ref[0]
        g = jnp.dot(xin, w1_ref[0], preferred_element_type=jnp.float32)
        v = jnp.dot(xin, w2_ref[0], preferred_element_type=jnp.float32)
        h = (g * jax.nn.sigmoid(g)) * v
        o = jnp.dot(h, w3_ref[0], preferred_element_type=jnp.float32)

        @pl.when(f == 0)
        def _set():
            acc[...] = o

        @pl.when(f != 0)
        def _acc():
            acc[...] += o

        @pl.when(f == _F_SPLIT - 1)
        def _combine():
            weighted = acc[...] * ew_ref[0, 0][:, None]
            for c in range(cap):
                i = idx_ref[e, c]
                out_ref[pl.ds(i, 1), :] += weighted[c : c + 1, :]

    return pl.pallas_call(
        body,
        grid=(n_experts, _F_SPLIT),
        in_specs=[
            pl.BlockSpec(memory_space=pltpu.SMEM),
            pl.BlockSpec((1, cap, d_model), lambda e, f: (e, 0, 0)),
            pl.BlockSpec((1, 1, cap), lambda e, f: (e, 0, 0)),
            pl.BlockSpec((1, d_model, f_blk), lambda e, f: (e, 0, f)),
            pl.BlockSpec((1, d_model, f_blk), lambda e, f: (e, 0, f)),
            pl.BlockSpec((1, f_blk, d_model), lambda e, f: (e, f, 0)),
        ],
        out_specs=pl.BlockSpec((seq_len, d_model), lambda e, f: (0, 0)),
        out_shape=jax.ShapeDtypeStruct((seq_len, d_model), jnp.float32),
        scratch_shapes=[pltpu.VMEM((cap, d_model), jnp.float32)],
    )(idx, inp, ew, w1, w2, w3)


def kernel(x, expert_weights, token_indices, w1, w2, w3):
    batch, seq_len, d_model = x.shape
    _, n_experts, cap = token_indices.shape
    n_rows = n_experts * cap

    x2d = x.reshape(seq_len, d_model)
    idx2d = token_indices.reshape(n_experts, cap).astype(jnp.int32)

    gathered = _sc_gather(x2d, idx2d.reshape(n_rows), n_rows, d_model)
    out = _tc_ffn_combine(
        gathered.reshape(n_experts, cap, d_model),
        expert_weights.reshape(n_experts, 1, cap),
        idx2d,
        w1,
        w2,
        w3,
        seq_len,
    )
    return out.reshape(batch, seq_len, d_model)

# --- scband reference (transcript-rebuilt; emitter-appended) ---
"""Pipeline reference for scband-grouped-experts-expert-choice-18451179504169 (READ-ONLY COPY).

The authoritative reference and input builder live on the scoring server;
editing this copy changes nothing except your own understanding.
"""

import jax, jax.numpy as jnp
import numpy as np

B, S, D = 1, 2048, 768
E, C, F = 64, 32, 2048


def _init_w(k, shape):
    fan_in = shape[1]
    gain = np.sqrt(1.0 / 3.0)
    std = gain / np.sqrt(fan_in)
    bound = np.sqrt(3.0) * std
    return jax.random.uniform(k, shape, dtype=jnp.float32, minval=-bound, maxval=bound)


def setup_inputs(seed: int = 0) -> dict:
    key = jax.random.key(seed)
    ks = jax.random.split(key, 6)
    x = jax.random.normal(ks[0], (B, S, D), dtype=jnp.float32)
    expert_weights = jax.random.uniform(ks[1], (B, E, C), dtype=jnp.float32)
    token_indices = jax.random.randint(ks[2], (B, E, C), 0, S).astype(jnp.int64)
    w1 = _init_w(ks[3], (E, D, F))
    w2 = _init_w(ks[4], (E, D, F))
    w3 = _init_w(ks[5], (E, F, D))
    return {"x": x, "expert_weights": expert_weights, "token_indices": token_indices,
            "w1": w1, "w2": w2, "w3": w3}


def reference(x, expert_weights, token_indices, w1, w2, w3):
    batch_size, seq_len, d_model = x.shape
    _, n_experts, capacity = token_indices.shape
    # gather: each expert selects its tokens
    x_exp = jnp.broadcast_to(x[:, None, :, :], (batch_size, n_experts, seq_len, d_model))
    idx = jnp.broadcast_to(token_indices[..., None], (batch_size, n_experts, capacity, d_model))
    expert_inputs = jnp.take_along_axis(x_exp, idx, axis=2)
    # expert compute (swiglu), batched matmul over batch*n_experts
    inp_flat = expert_inputs.reshape(batch_size * n_experts, capacity, d_model)
    w1t = jnp.tile(w1, (batch_size, 1, 1))
    w2t = jnp.tile(w2, (batch_size, 1, 1))
    w3t = jnp.tile(w3, (batch_size, 1, 1))
    gate = jax.nn.silu(jnp.matmul(inp_flat, w1t))
    value = jnp.matmul(inp_flat, w2t)
    hidden = gate * value
    out_flat = jnp.matmul(hidden, w3t)
    expert_outputs = out_flat.reshape(batch_size, n_experts, capacity, d_model)
    # weight and scatter-add back to token positions
    weighted = expert_outputs * expert_weights[..., None]
    weighted_flat = weighted.reshape(batch_size, n_experts * capacity, d_model)
    idx_flat = token_indices.reshape(batch_size, n_experts * capacity)
    output = jnp.zeros((batch_size, seq_len, d_model), dtype=x.dtype)
    output = output.at[jnp.arange(batch_size)[:, None], idx_flat].add(weighted_flat)
    return output

if __name__ == "__main__":
    import jax
    _d = setup_inputs()
    print(jax.jit(kernel)(*tuple(_d.values())))

</pallas_src>

<mosaic_0001>
#map = affine_map<(d0, d1) -> (0, 0)>
#map1 = affine_map<(d0, d1) -> (0)>
module attributes {stable_mosaic.version = 14 : i64} {
  func.func @k(%arg0: i32, %arg1: i32, %arg2: memref<2048x768xf32, #tpu.memory_space<hbm>>, %arg3: memref<2048xi32, #tpu.memory_space<hbm>>, %arg4: memref<2048x768xf32, #tpu.memory_space<hbm>>, %arg5: memref<64xi32, #tpu.memory_space<vmem>>, %arg6: memref<64x768xf32, #tpu.memory_space<vmem>>, %arg7: memref<!tpu.dma_semaphore, #tpu.memory_space<semaphore_mem>>) attributes {dimension_semantics = [#tpu.dimension_semantics<core_parallel>, #tpu.dimension_semantics<subcore_parallel>], iteration_bounds = array<i64: 2, 16>, scalar_prefetch = 0 : i64, scratch_operands = 3 : i64, tpu.core_type = #tpu.core_type<sc_vector_subcore>, window_params = [{transform_indices = #map}, {transform_indices = #map1}, {transform_indices = #map}]} {
    %mul3A = arith.constant 2 : i32
    %mul3A_0 = arith.muli %arg1, %mul3A : i32
    %add3A = arith.addi %mul3A_0, %arg0 : i32
    %mul3A_1 = arith.constant 64 : i32
    %mul3A_2 = arith.muli %add3A, %mul3A_1 : i32
    "tpu.region"() ({
      %run_scoped3A = tpu.sem_alloc : memref<!tpu.dma_semaphore, #tpu.memory_space<semaphore_mem>>
      %dma_start3A_7 = tpu.memref_slice %arg3[%mul3A_2] : memref<2048xi32, #tpu.memory_space<hbm>> -> memref<64xi32, #tpu.memory_space<hbm>>
      %dma_start3A_8 = tpu.memref_slice %arg3[%mul3A_2] : memref<2048xi32, #tpu.memory_space<hbm>> -> memref<64xi32, #tpu.memory_space<hbm>>
      tpu.enqueue_dma source(%dma_start3A_8 : memref<64xi32, #tpu.memory_space<hbm>>) target(%arg5 : memref<64xi32, #tpu.memory_space<vmem>>) target_semaphore(%run_scoped3A : memref<!tpu.dma_semaphore, #tpu.memory_space<semaphore_mem>>)
      %dma_wait3A_9 = tpu.memref_slice %arg3[%mul3A_2] : memref<2048xi32, #tpu.memory_space<hbm>> -> memref<64xi32, #tpu.memory_space<hbm>>
      %dma_wait3A_10 = tpu.memref_slice %arg3[%mul3A_2] : memref<2048xi32, #tpu.memory_space<hbm>> -> memref<64xi32, #tpu.memory_space<hbm>>
      tpu.wait_dma2 semaphore(%run_scoped3A : memref<!tpu.dma_semaphore, #tpu.memory_space<semaphore_mem>>) src(%dma_wait3A_10 : memref<64xi32, #tpu.memory_space<hbm>>) dst(%arg5 : memref<64xi32, #tpu.memory_space<vmem>>)
      tpu.yield
    }) : () -> ()
    %dma_start3A = arith.constant 0 : i32
    %dma_start3A_3 = arith.constant 0 : i32
    %dma_start3A_4 = tpu.memref_slice %arg2[%dma_start3A, %dma_start3A_3] : memref<2048x768xf32, #tpu.memory_space<hbm>> -> memref<2048x768xf32, #tpu.memory_space<hbm>>
    tpu.enqueue_indirect_dma source(%dma_start3A_4 : memref<2048x768xf32, #tpu.memory_space<hbm>>) target(%arg6 : memref<64x768xf32, #tpu.memory_space<vmem>>) offsets(%arg5 : memref<64xi32, #tpu.memory_space<vmem>>) semaphore(%arg7 : memref<!tpu.dma_semaphore, #tpu.memory_space<semaphore_mem>>)
    %dma_wait3A = arith.constant 0 : i32
    %dma_wait3A_5 = arith.constant 0 : i32
    %dma_wait3A_6 = tpu.memref_slice %arg2[%dma_wait3A, %dma_wait3A_5] : memref<2048x768xf32, #tpu.memory_space<hbm>> -> memref<2048x768xf32, #tpu.memory_space<hbm>>
    tpu.wait_indirect_dma semaphore(%arg7 : memref<!tpu.dma_semaphore, #tpu.memory_space<semaphore_mem>>) src(%dma_wait3A_6 : memref<2048x768xf32, #tpu.memory_space<hbm>>) dst(%arg6 : memref<64x768xf32, #tpu.memory_space<vmem>>)
    "tpu.region"() ({
      %run_scoped3A = tpu.sem_alloc : memref<!tpu.dma_semaphore, #tpu.memory_space<semaphore_mem>>
      %dma_start3A_7 = arith.constant 0 : i32
      %dma_start3A_8 = tpu.memref_slice %arg4[%mul3A_2, %dma_start3A_7] : memref<2048x768xf32, #tpu.memory_space<hbm>> -> memref<64x768xf32, #tpu.memory_space<hbm>>
      %dma_start3A_9 = arith.constant 0 : i32
      %dma_start3A_10 = tpu.memref_slice %arg4[%mul3A_2, %dma_start3A_9] : memref<2048x768xf32, #tpu.memory_space<hbm>> -> memref<64x768xf32, #tpu.memory_space<hbm>>
      tpu.enqueue_dma source(%arg6 : memref<64x768xf32, #tpu.memory_space<vmem>>) target(%dma_start3A_10 : memref<64x768xf32, #tpu.memory_space<hbm>>) target_semaphore(%run_scoped3A : memref<!tpu.dma_semaphore, #tpu.memory_space<semaphore_mem>>)
      %dma_wait3A_11 = arith.constant 0 : i32
      %dma_wait3A_12 = tpu.memref_slice %arg4[%mul3A_2, %dma_wait3A_11] : memref<2048x768xf32, #tpu.memory_space<hbm>> -> memref<64x768xf32, #tpu.memory_space<hbm>>
      %dma_wait3A_13 = arith.constant 0 : i32
      %dma_wait3A_14 = tpu.memref_slice %arg4[%mul3A_2, %dma_wait3A_13] : memref<2048x768xf32, #tpu.memory_space<hbm>> -> memref<64x768xf32, #tpu.memory_space<hbm>>
      tpu.wait_dma2 semaphore(%run_scoped3A : memref<!tpu.dma_semaphore, #tpu.memory_space<semaphore_mem>>) src(%arg6 : memref<64x768xf32, #tpu.memory_space<vmem>>) dst(%dma_wait3A_14 : memref<64x768xf32, #tpu.memory_space<hbm>>)
      tpu.yield
    }) : () -> ()
    return
  }
}

module attributes {stable_mosaic.version = 14 : i64} {
  func.func @body(%arg0: i32, %arg1: i32, %arg2: memref<64x32xi32, #tpu.memory_space<smem>>, %arg3: memref<1x32x768xf32, #tpu.memory_space<vmem>>, %arg4: memref<1x1x32xf32, #tpu.memory_space<vmem>>, %arg5: memref<1x768x1024xf32, #tpu.memory_space<vmem>>, %arg6: memref<1x768x1024xf32, #tpu.memory_space<vmem>>, %arg7: memref<1x1024x768xf32, #tpu.memory_space<vmem>>, %arg8: memref<2048x768xf32, #tpu.memory_space<vmem>>, %arg9: memref<32x768xf32, #tpu.memory_space<vmem>>) attributes {dimension_semantics = [#tpu.dimension_semantics<arbitrary>, #tpu.dimension_semantics<arbitrary>], iteration_bounds = array<i64: 64, 2>, scalar_prefetch = 0 : i64, scratch_operands = 1 : i64, tpu.core_type = #tpu.core_type<tc>, window_params = [{transform_indices = @transform_0, window_bounds = array<i64: 64, 32>}, {transform_indices = @transform_1, window_bounds = array<i64: 1, 32, 768>}, {transform_indices = @transform_2, window_bounds = array<i64: 1, 1, 32>}, {transform_indices = @transform_3, window_bounds = array<i64: 1, 768, 1024>}, {transform_indices = @transform_4, window_bounds = array<i64: 1, 768, 1024>}, {transform_indices = @transform_5, window_bounds = array<i64: 1, 1024, 768>}, {pipeline_mode = #tpu.pipeline_mode<synchronous>, transform_indices = @transform_6, window_bounds = array<i64: 2048, 768>}]} {
    %eq3A = arith.constant 0 : i32
    %eq3A_0 = arith.cmpi eq, %arg0, %eq3A : i32
    %eq3A_1 = arith.constant 0 : i32
    %eq3A_2 = arith.cmpi eq, %arg1, %eq3A_1 : i32
    %and3A = arith.andi %eq3A_0, %eq3A_2 : i1
    %convert_element_type3A = arith.extui %and3A : i1 to i32
    %cond3A = arith.constant 0 : i32
    %cond3A_3 = arith.cmpi ne, %convert_element_type3A, %cond3A : i32
    scf.if %cond3A_3 {
      %broadcast_in_dim3A = arith.constant 0.000000e+00 : f32
      %broadcast_in_dim3A_48 = vector.broadcast %broadcast_in_dim3A : f32 to vector<2048x768xf32>
      %swap3A = arith.constant 0 : index
      %swap3A_49 = arith.constant 0 : index
      %swap3A_50 = vector.load %arg8[%swap3A, %swap3A_49] : memref<2048x768xf32, #tpu.memory_space<vmem>>, vector<2048x768xf32>
      tpu.vector_store %arg8[%swap3A, %swap3A_49], %broadcast_in_dim3A_48 {strides = array<i32>} : memref<2048x768xf32, #tpu.memory_space<vmem>>, vector<2048x768xf32>,
    } else {
    }
    %get3A = arith.constant 0 : index
    %get3A_4 = arith.constant 0 : index
    %get3A_5 = arith.constant 0 : index
    %get3A_6 = vector.load %arg3[%get3A, %get3A_4, %get3A_5] : memref<1x32x768xf32, #tpu.memory_space<vmem>>, vector<1x32x768xf32>
    %get3A_7 = vector.shape_cast %get3A_6 : vector<1x32x768xf32> to vector<32x768xf32>
    %get3A_8 = arith.constant 0 : index
    %get3A_9 = arith.constant 0 : index
    %get3A_10 = arith.constant 0 : index
    %get3A_11 = vector.load %arg5[%get3A_8, %get3A_9, %get3A_10] : memref<1x768x1024xf32, #tpu.memory_space<vmem>>, vector<1x768x1024xf32>
    %get3A_12 = vector.shape_cast %get3A_11 : vector<1x768x1024xf32> to vector<768x1024xf32>
    %dot_general3A = arith.constant dense<0.000000e+00> : vector<32x1024xf32>
    %dot_general3A_13 = tpu.matmul %get3A_7, %get3A_12, %dot_general3A {dimension_numbers = #tpu.dot_dimension_numbers<[1], [0], [0], [1], [0, 0, 1, 1], [], []>, transpose_lhs_hint = false} : vector<32x768xf32>, vector<768x1024xf32>, vector<32x1024xf32> -> vector<32x1024xf32>
    %get3A_14 = arith.constant 0 : index
    %get3A_15 = arith.constant 0 : index
    %get3A_16 = arith.constant 0 : index
    %get3A_17 = vector.load %arg6[%get3A_14, %get3A_15, %get3A_16] : memref<1x768x1024xf32, #tpu.memory_space<vmem>>, vector<1x768x1024xf32>
    %get3A_18 = vector.shape_cast %get3A_17 : vector<1x768x1024xf32> to vector<768x1024xf32>
    %dot_general3A_19 = arith.constant dense<0.000000e+00> : vector<32x1024xf32>
    %dot_general3A_20 = tpu.matmul %get3A_7, %get3A_18, %dot_general3A_19 {dimension_numbers = #tpu.dot_dimension_numbers<[1], [0], [0], [1], [0, 0, 1, 1], [], []>, transpose_lhs_hint = false} : vector<32x768xf32>, vector<768x1024xf32>, vector<32x1024xf32> -> vector<32x1024xf32>
    %logistic3A = arith.negf %dot_general3A_13 : vector<32x1024xf32>
    %logistic3A_21 = math.exp %logistic3A : vector<32x1024xf32>
    %logistic3A_22 = arith.constant 1.000000e+00 : f32
    %logistic3A_23 = vector.broadcast %logistic3A_22 : f32 to vector<32x1024xf32>
    %logistic3A_24 = arith.addf %logistic3A_23, %logistic3A_21 : vector<32x1024xf32>
    %logistic3A_25 = arith.divf %logistic3A_23, %logistic3A_24 : vector<32x1024xf32>
    %mul3A = arith.mulf %dot_general3A_13, %logistic3A_25 : vector<32x1024xf32>
    %mul3A_26 = arith.mulf %mul3A, %dot_general3A_20 : vector<32x1024xf32>
    %get3A_27 = arith.constant 0 : index
    %get3A_28 = arith.constant 0 : index
    %get3A_29 = arith.constant 0 : index
    %get3A_30 = vector.load %arg7[%get3A_27, %get3A_28, %get3A_29] : memref<1x1024x768xf32, #tpu.memory_space<vmem>>, vector<1x1024x768xf32>
    %get3A_31 = vector.shape_cast %get3A_30 : vector<1x1024x768xf32> to vector<1024x768xf32>
    %dot_general3A_32 = arith.constant dense<0.000000e+00> : vector<32x768xf32>
    %dot_general3A_33 = tpu.matmul %mul3A_26, %get3A_31, %dot_general3A_32 {dimension_numbers = #tpu.dot_dimension_numbers<[1], [0], [0], [1], [0, 0, 1, 1], [], []>, transpose_lhs_hint = false} : vector<32x1024xf32>, vector<1024x768xf32>, vector<32x768xf32> -> vector<32x768xf32>
    %eq3A_34 = arith.constant 0 : i32
    %eq3A_35 = arith.cmpi eq, %arg1, %eq3A_34 : i32
    %convert_element_type3A_36 = arith.extui %eq3A_35 : i1 to i32
    %cond3A_37 = arith.constant 0 : i32
    %cond3A_38 = arith.cmpi ne, %convert_element_type3A_36, %cond3A_37 : i32
    scf.if %cond3A_38 {
      %swap3A = arith.constant 0 : index
      %swap3A_48 = arith.constant 0 : index
      %swap3A_49 = vector.load %arg9[%swap3A, %swap3A_48] : memref<32x768xf32, #tpu.memory_space<vmem>>, vector<32x768xf32>
      tpu.vector_store %arg9[%swap3A, %swap3A_48], %dot_general3A_33 {strides = array<i32>} : memref<32x768xf32, #tpu.memory_space<vmem>>, vector<32x768xf32>,
    } else {
    }
    %ne3A = arith.constant 0 : i32
    %ne3A_39 = arith.cmpi ne, %arg1, %ne3A : i32
    %convert_element_type3A_40 = arith.extui %ne3A_39 : i1 to i32
    %cond3A_41 = arith.constant 0 : i32
    %cond3A_42 = arith.cmpi ne, %convert_element_type3A_40, %cond3A_41 : i32
    scf.if %cond3A_42 {
      %get3A_48 = arith.constant 0 : index
      %get3A_49 = arith.constant 0 : index
      %get3A_50 = vector.load %arg9[%get3A_48, %get3A_49] : memref<32x768xf32, #tpu.memory_space<vmem>>, vector<32x768xf32>
      %add3A = arith.addf %get3A_50, %dot_general3A_33 : vector<32x768xf32>
      %swap3A = arith.constant 0 : index
      %swap3A_51 = arith.constant 0 : index
      %swap3A_52 = vector.load %arg9[%swap3A, %swap3A_51] : memref<32x768xf32, #tpu.memory_space<vmem>>, vector<32x768xf32>
      tpu.vector_store %arg9[%swap3A, %swap3A_51], %add3A {strides = array<i32>} : memref<32x768xf32, #tpu.memory_space<vmem>>, vector<32x768xf32>,
    } else {
    }
    %eq3A_43 = arith.constant 1 : i32
    %eq3A_44 = arith.cmpi eq, %arg1, %eq3A_43 : i32
    %convert_element_type3A_45 = arith.extui %eq3A_44 : i1 to i32
    %cond3A_46 = arith.constant 0 : i32
    %cond3A_47 = arith.cmpi ne, %convert_element_type3A_45, %cond3A_46 : i32
    scf.if %cond3A_47 {
      %get3A_48 = arith.constant 0 : index
      %get3A_49 = arith.constant 0 : index
      %get3A_50 = vector.load %arg9[%get3A_48, %get3A_49] : memref<32x768xf32, #tpu.memory_space<vmem>>, vector<32x768xf32>
      %get3A_51 = arith.constant 0 : index
      %get3A_52 = arith.constant 0 : index
      %get3A_53 = arith.constant 0 : index
      %get3A_54 = vector.load %arg4[%get3A_51, %get3A_52, %get3A_53] : memref<1x1x32xf32, #tpu.memory_space<vmem>>, vector<1x1x32xf32>
      %get3A_55 = vector.shape_cast %get3A_54 : vector<1x1x32xf32> to vector<32xf32>
      %broadcast_in_dim3A = vector.shape_cast %get3A_55 : vector<32xf32> to vector<32x1xf32>
      %mul3A_56 = vector.broadcast %broadcast_in_dim3A : vector<32x1xf32> to vector<32x768xf32>
      %mul3A_57 = arith.mulf %get3A_50, %mul3A_56 : vector<32x768xf32>
      %get3A_58 = arith.index_cast %arg0 : i32 to index
      %get3A_59 = arith.constant 0 : index
      %get3A_60 = memref.load %arg2[%get3A_58, %get3A_59] : memref<64x32xi32, #tpu.memory_space<smem>>
      %get3A_61 = arith.index_cast %get3A_60 : i32 to index
      %get3A_62 = arith.constant 0 : index
      %get3A_63 = vector.load %arg8[%get3A_61, %get3A_62] : memref<2048x768xf32, #tpu.memory_space<vmem>>, vector<1x768xf32>
      %slice3A = vector.extract_strided_slice %mul3A_57 {offsets = [0, 0], sizes = [1, 768], strides = [1, 1]} : vector<32x768xf32> to vector<1x768xf32>
      %add3A = arith.addf %get3A_63, %slice3A : vector<1x768xf32>
      %swap3A = arith.index_cast %get3A_60 : i32 to index
      %swap3A_64 = arith.constant 0 : index
      %swap3A_65 = vector.load %arg8[%swap3A, %swap3A_64] : memref<2048x768xf32, #tpu.memory_space<vmem>>, vector<1x768xf32>
      tpu.vector_store %arg8[%swap3A, %swap3A_64], %add3A {strides = array<i32>} : memref<2048x768xf32, #tpu.memory_space<vmem>>, vector<1x768xf32>,
      %get3A_66 = arith.index_cast %arg0 : i32 to index
      %get3A_67 = arith.constant 1 : index
      %get3A_68 = memref.load %arg2[%get3A_66, %get3A_67] : memref<64x32xi32, #tpu.memory_space<smem>>
      %get3A_69 = arith.index_cast %get3A_68 : i32 to index
      %get3A_70 = arith.constant 0 : index
      %get3A_71 = vector.load %arg8[%get3A_69, %get3A_70] : memref<2048x768xf32, #tpu.memory_space<vmem>>, vector<1x768xf32>
      %slice3A_72 = vector.extract_strided_slice %mul3A_57 {offsets = [1, 0], sizes = [1, 768], strides = [1, 1]} : vector<32x768xf32> to vector<1x768xf32>
      %add3A_73 = arith.addf %get3A_71, %slice3A_72 : vector<1x768xf32>
      %swap3A_74 = arith.index_cast %get3A_68 : i32 to index
      %swap3A_75 = arith.constant 0 : index
      %swap3A_76 = vector.load %arg8[%swap3A_74, %swap3A_75] : memref<2048x768xf32, #tpu.memory_space<vmem>>, vector<1x768xf32>
      tpu.vector_store %arg8[%swap3A_74, %swap3A_75], %add3A_73 {strides = array<i32>} : memref<2048x768xf32, #tpu.memory_space<vmem>>, vector<1x768xf32>,
      %get3A_77 = arith.index_cast %arg0 : i32 to index
      %get3A_78 = arith.constant 2 : index
      %get3A_79 = memref.load %arg2[%get3A_77, %get3A_78] : memref<64x32xi32, #tpu.memory_space<smem>>
      %get3A_80 = arith.index_cast %get3A_79 : i32 to index
      %get3A_81 = arith.constant 0 : index
      %get3A_82 = vector.load %arg8[%get3A_80, %get3A_81] : memref<2048x768xf32, #tpu.memory_space<vmem>>, vector<1x768xf32>
      %slice3A_83 = vector.extract_strided_slice %mul3A_57 {offsets = [2, 0], sizes = [1, 768], strides = [1, 1]} : vector<32x768xf32> to vector<1x768xf32>
      %add3A_84 = arith.addf %get3A_82, %slice3A_83 : vector<1x768xf32>
      %swap3A_85 = arith.index_cast %get3A_79 : i32 to index
      %swap3A_86 = arith.constant 0 : index
      %swap3A_87 = vector.load %arg8[%swap3A_85, %swap3A_86] : memref<2048x768xf32, #tpu.memory_space<vmem>>, vector<1x768xf32>
      tpu.vector_store %arg8[%swap3A_85, %swap3A_86], %add3A_84 {strides = array<i32>} : memref<2048x768xf32, #tpu.memory_space<vmem>>, vector<1x768xf32>,
      %get3A_88 = arith.index_cast %arg0 : i32 to index
      %get3A_89 = arith.constant 3 : index
      %get3A_90 = memref.load %arg2[%get3A_88, %get3A_89] : memref<64x32xi32, #tpu.memory_space<smem>>
      %get3A_91 = arith.index_cast %get3A_90 : i32 to index
      %get3A_92 = arith.constant 0 : index
      %get3A_93 = vector.load %arg8[%get3A_91, %get3A_92] : memref<2048x768xf32, #tpu.memory_space<vmem>>, vector<1x768xf32>
      %slice3A_94 = vector.extract_strided_slice %mul3A_57 {offsets = [3, 0], sizes = [1, 768], strides = [1, 1]} : vector<32x768xf32> to vector<1x768xf32>
      %add3A_95 = arith.addf %get3A_93, %slice3A_94 : vector<1x768xf32>
      %swap3A_96 = arith.index_cast %get3A_90 : i32 to index
      %swap3A_97 = arith.constant 0 : index
      %swap3A_98 = vector.load %arg8[%swap3A_96, %swap3A_97] : memref<2048x768xf32, #tpu.memory_space<vmem>>, vector<1x768xf32>
      tpu.vector_store %arg8[%swap3A_96, %swap3A_97], %add3A_95 {strides = array<i32>} : memref<2048x768xf32, #tpu.memory_space<vmem>>, vector<1x768xf32>,
      %get3A_99 = arith.index_cast %arg0 : i32 to index
      %get3A_100 = arith.constant 4 : index
      %get3A_101 = memref.load %arg2[%get3A_99, %get3A_100] : memref<64x32xi32, #tpu.memory_space<smem>>
      %get3A_102 = arith.index_cast %get3A_101 : i32 to index
      %get3A_103 = arith.constant 0 : index
      %get3A_104 = vector.load %arg8[%get3A_102, %get3A_103] : memref<2048x768xf32, #tpu.memory_space<vmem>>, vector<1x768xf32>
      %slice3A_105 = vector.extract_strided_slice %mul3A_57 {offsets = [4, 0], sizes = [1, 768], strides = [1, 1]} : vector<32x768xf32> to vector<1x768xf32>
      %add3A_106 = arith.addf %get3A_104, %slice3A_105 : vector<1x768xf32>
      %swap3A_107 = arith.index_cast %get3A_101 : i32 to index
      %swap3A_108 = arith.constant 0 : index
      %swap3A_109 = vector.load %arg8[%swap3A_107, %swap3A_108] : memref<2048x768xf32, #tpu.memory_space<vmem>>, vector<1x768xf32>
      tpu.vector_store %arg8[%swap3A_107, %swap3A_108], %add3A_106 {strides = array<i32>} : memref<2048x768xf32, #tpu.memory_space<vmem>>, vector<1x768xf32>,
      %get3A_110 = arith.index_cast %arg0 : i32 to index
      %get3A_111 = arith.constant 5 : index
      %get3A_112 = memref.load %arg2[%get3A_110, %get3A_111] : memref<64x32xi32, #tpu.memory_space<smem>>
      %get3A_113 = arith.index_cast %get3A_112 : i32 to index
      %get3A_114 = arith.constant 0 : index
      %get3A_115 = vector.load %arg8[%get3A_113, %get3A_114] : memref<2048x768xf32, #tpu.memory_space<vmem>>, vector<1x768xf32>
      %slice3A_116 = vector.extract_strided_slice %mul3A_57 {offsets = [5, 0], sizes = [1, 768], strides = [1, 1]} : vector<32x768xf32> to vector<1x768xf32>
      %add3A_117 = arith.addf %get3A_115, %slice3A_116 : vector<1x768xf32>
      %swap3A_118 = arith.index_cast %get3A_112 : i32 to index
      %swap3A_119 = arith.constant 0 : index
      %swap3A_120 = vector.load %arg8[%swap3A_118, %swap3A_119] : memref<2048x768xf32, #tpu.memory_space<vmem>>, vector<1x768xf32>
      tpu.vector_store %arg8[%swap3A_118, %swap3A_119], %add3A_117 {strides = array<i32>} : memref<2048x768xf32, #tpu.memory_space<vmem>>, vector<1x768xf32>,
      %get3A_121 = arith.index_cast %arg0 : i32 to index
      %get3A_122 = arith.constant 6 : index
      %get3A_123 = memref.load %arg2[%get3A_121, %get3A_122] : memref<64x32xi32, #tpu.memory_space<smem>>
      %get3A_124 = arith.index_cast %get3A_123 : i32 to index
      %get3A_125 = arith.constant 0 : index
      %get3A_126 = vector.load %arg8[%get3A_124, %get3A_125] : memref<2048x768xf32, #tpu.memory_space<vmem>>, vector<1x768xf32>
      %slice3A_127 = vector.extract_strided_slice %mul3A_57 {offsets = [6, 0], sizes = [1, 768], strides = [1, 1]} : vector<32x768xf32> to vector<1x768xf32>
      %add3A_128 = arith.addf %get3A_126, %slice3A_127 : vector<1x768xf32>
      %swap3A_129 = arith.index_cast %get3A_123 : i32 to index
      %swap3A_130 = arith.constant 0 : index
      %swap3A_131 = vector.load %arg8[%swap3A_129, %swap3A_130] : memref<2048x768xf32, #tpu.memory_space<vmem>>, vector<1x768xf32>
      tpu.vector_store %arg8[%swap3A_129, %swap3A_130], %add3A_128 {strides = array<i32>} : memref<2048x768xf32, #tpu.memory_space<vmem>>, vector<1x768xf32>,
      %get3A_132 = arith.index_cast %arg0 : i32 to index
      %get3A_133 = arith.constant 7 : index
      %get3A_134 = memref.load %arg2[%get3A_132, %get3A_133] : memref<64x32xi32, #tpu.memory_space<smem>>
      %get3A_135 = arith.index_cast %get3A_134 : i32 to index
      %get3A_136 = arith.constant 0 : index
      %get3A_137 = vector.load %arg8[%get3A_135, %get3A_136] : memref<2048x768xf32, #tpu.memory_space<vmem>>, vector<1x768xf32>
      %slice3A_138 = vector.extract_strided_slice %mul3A_57 {offsets = [7, 0], sizes = [1, 768], strides = [1, 1]} : vector<32x768xf32> to vector<1x768xf32>
      %add3A_139 = arith.addf %get3A_137, %slice3A_138 : vector<1x768xf32>
      %swap3A_140 = arith.index_cast %get3A_134 : i32 to index
      %swap3A_141 = arith.constant 0 : index
      %swap3A_142 = vector.load %arg8[%swap3A_140, %swap3A_141] : memref<2048x768xf32, #tpu.memory_space<vmem>>, vector<1x768xf32>
      tpu.vector_store %arg8[%swap3A_140, %swap3A_141], %add3A_139 {strides = array<i32>} : memref<2048x768xf32, #tpu.memory_space<vmem>>, vector<1x768xf32>,
      %get3A_143 = arith.index_cast %arg0 : i32 to index
      %get3A_144 = arith.constant 8 : index
      %get3A_145 = memref.load %arg2[%get3A_143, %get3A_144] : memref<64x32xi32, #tpu.memory_space<smem>>
      %get3A_146 = arith.index_cast %get3A_145 : i32 to index
      %get3A_147 = arith.constant 0 : index
      %get3A_148 = vector.load %arg8[%get3A_146, %get3A_147] : memref<2048x768xf32, #tpu.memory_space<vmem>>, vector<1x768xf32>
      %slice3A_149 = vector.extract_strided_slice %mul3A_57 {offsets = [8, 0], sizes = [1, 768], strides = [1, 1]} : vector<32x768xf32> to vector<1x768xf32>
      %add3A_150 = arith.addf %get3A_148, %slice3A_149 : vector<1x768xf32>
      %swap3A_151 = arith.index_cast %get3A_145 : i32 to index
      %swap3A_152 = arith.constant 0 : index
      %swap3A_153 = vector.load %arg8[%swap3A_151, %swap3A_152] : memref<2048x768xf32, #tpu.memory_space<vmem>>, vector<1x768xf32>
      tpu.vector_store %arg8[%swap3A_151, %swap3A_152], %add3A_150 {strides = array<i32>} : memref<2048x768xf32, #tpu.memory_space<vmem>>, vector<1x768xf32>,
      %get3A_154 = arith.index_cast %arg0 : i32 to index
      %get3A_155 = arith.constant 9 : index
      %get3A_156 = memref.load %arg2[%get3A_154, %get3A_155] : memref<64x32xi32, #tpu.memory_space<smem>>
      %get3A_157 = arith.index_cast %get3A_156 : i32 to index
      %get3A_158 = arith.constant 0 : index
      %get3A_159 = vector.load %arg8[%get3A_157, %get3A_158] : memref<2048x768xf32, #tpu.memory_space<vmem>>, vector<1x768xf32>
      %slice3A_160 = vector.extract_strided_slice %mul3A_57 {offsets = [9, 0], sizes = [1, 768], strides = [1, 1]} : vector<32x768xf32> to vector<1x768xf32>
      %add3A_161 = arith.addf %get3A_159, %slice3A_160 : vector<1x768xf32>
      %swap3A_162 = arith.index_cast %get3A_156 : i32 to index
      %swap3A_163 = arith.constant 0 : index
      %swap3A_164 = vector.load %arg8[%swap3A_162, %swap3A_163] : memref<2048x768xf32, #tpu.memory_space<vmem>>, vector<1x768xf32>
      tpu.vector_store %arg8[%swap3A_162, %swap3A_163], %add3A_161 {strides = array<i32>} : memref<2048x768xf32, #tpu.memory_space<vmem>>, vector<1x768xf32>,
      %get3A_165 = arith.index_cast %arg0 : i32 to index
      %get3A_166 = arith.constant 10 : index
      %get3A_167 = memref.load %arg2[%get3A_165, %get3A_166] : memref<64x32xi32, #tpu.memory_space<smem>>
      %get3A_168 = arith.index_cast %get3A_167 : i32 to index
      %get3A_169 = arith.constant 0 : index
      %get3A_170 = vector.load %arg8[%get3A_168, %get3A_169] : memref<2048x768xf32, #tpu.memory_space<vmem>>, vector<1x768xf32>
      %slice3A_171 = vector.extract_strided_slice %mul3A_57 {offsets = [10, 0], sizes = [1, 768], strides = [1, 1]} : vector<32x768xf32> to vector<1x768xf32>
      %add3A_172 = arith.addf %get3A_170, %slice3A_171 : vector<1x768xf32>
      %swap3A_173 = arith.index_cast %get3A_167 : i32 to index
      %swap3A_174 = arith.constant 0 : index
      %swap3A_175 = vector.load %arg8[%swap3A_173, %swap3A_174] : memref<2048x768xf32, #tpu.memory_space<vmem>>, vector<1x768xf32>
      tpu.vector_store %arg8[%swap3A_173, %swap3A_174], %add3A_172 {strides = array<i32>} : memref<2048x768xf32, #tpu.memory_space<vmem>>, vector<1x768xf32>,
      %get3A_176 = arith.index_cast %arg0 : i32 to index
      %get3A_177 = arith.constant 11 : index
      %get3A_178 = memref.load %arg2[%get3A_176, %get3A_177] : memref<64x32xi32, #tpu.memory_space<smem>>
      %get3A_179 = arith.index_cast %get3A_178 : i32 to index
      %get3A_180 = arith.constant 0 : index
      %get3A_181 = vector.load %arg8[%get3A_179, %get3A_180] : memref<2048x768xf32, #tpu.memory_space<vmem>>, vector<1x768xf32>
      %slice3A_182 = vector.extract_strided_slice %mul3A_57 {offsets = [11, 0], sizes = [1, 768], strides = [1, 1]} : vector<32x768xf32> to vector<1x768xf32>
      %add3A_183 = arith.addf %get3A_181, %slice3A_182 : vector<1x768xf32>
      %swap3A_184 = arith.index_cast %get3A_178 : i32 to index
      %swap3A_185 = arith.constant 0 : index
      %swap3A_186 = vector.load %arg8[%swap3A_184, %swap3A_185] : memref<2048x768xf32, #tpu.memory_space<vmem>>, vector<1x768xf32>
      tpu.vector_store %arg8[%swap3A_184, %swap3A_185], %add3A_183 {strides = array<i32>} : memref<2048x768xf32, #tpu.memory_space<vmem>>, vector<1x768xf32>,
      %get3A_187 = arith.index_cast %arg0 : i32 to index
      %get3A_188 = arith.constant 12 : index
      %get3A_189 = memref.load %arg2[%get3A_187, %get3A_188] : memref<64x32xi32, #tpu.memory_space<smem>>
      %get3A_190 = arith.index_cast %get3A_189 : i32 to index
      %get3A_191 = arith.constant 0 : index
      %get3A_192 = vector.load %arg8[%get3A_190, %get3A_191] : memref<2048x768xf32, #tpu.memory_space<vmem>>, vector<1x768xf32>
      %slice3A_193 = vector.extract_strided_slice %mul3A_57 {offsets = [12, 0], sizes = [1, 768], strides = [1, 1]} : vector<32x768xf32> to vector<1x768xf32>
      %add3A_194 = arith.addf %get3A_192, %slice3A_193 : vector<1x768xf32>
      %swap3A_195 = arith.index_cast %get3A_189 : i32 to index
      %swap3A_196 = arith.constant 0 : index
      %swap3A_197 = vector.load %arg8[%swap3A_195, %swap3A_196] : memref<2048x768xf32, #tpu.memory_space<vmem>>, vector<1x768xf32>
      tpu.vector_store %arg8[%swap3A_195, %swap3A_196], %add3A_194 {strides = array<i32>} : memref<2048x768xf32, #tpu.memory_space<vmem>>, vector<1x768xf32>,
      %get3A_198 = arith.index_cast %arg0 : i32 to index
      %get3A_199 = arith.constant 13 : index
      %get3A_200 = memref.load %arg2[%get3A_198, %get3A_199] : memref<64x32xi32, #tpu.memory_space<smem>>
      %get3A_201 = arith.index_cast %get3A_200 : i32 to index
      %get3A_202 = arith.constant 0 : index
      %get3A_203 = vector.load %arg8[%get3A_201, %get3A_202] : memref<2048x768xf32, #tpu.memory_space<vmem>>, vector<1x768xf32>
      %slice3A_204 = vector.extract_strided_slice %mul3A_57 {offsets = [13, 0], sizes = [1, 768], strides = [1, 1]} : vector<32x768xf32> to vector<1x768xf32>
      %add3A_205 = arith.addf %get3A_203, %slice3A_204 : vector<1x768xf32>
      %swap3A_206 = arith.index_cast %get3A_200 : i32 to index
      %swap3A_207 = arith.constant 0 : index
      %swap3A_208 = vector.load %arg8[%swap3A_206, %swap3A_207] : memref<2048x768xf32, #tpu.memory_space<vmem>>, vector<1x768xf32>
      tpu.vector_store %arg8[%swap3A_206, %swap3A_207], %add3A_205 {strides = array<i32>} : memref<2048x768xf32, #tpu.memory_space<vmem>>, vector<1x768xf32>,
      %get3A_209 = arith.index_cast %arg0 : i32 to index
      %get3A_210 = arith.constant 14 : index
      %get3A_211 = memref.load %arg2[%get3A_209, %get3A_210] : memref<64x32xi32, #tpu.memory_space<smem>>
      %get3A_212 = arith.index_cast %get3A_211 : i32 to index
      %get3A_213 = arith.constant 0 : index
      %get3A_214 = vector.load %arg8[%get3A_212, %get3A_213] : memref<2048x768xf32, #tpu.memory_space<vmem>>, vector<1x768xf32>
      %slice3A_215 = vector.extract_strided_slice %mul3A_57 {offsets = [14, 0], sizes = [1, 768], strides = [1, 1]} : vector<32x768xf32> to vector<1x768xf32>
      %add3A_216 = arith.addf %get3A_214, %slice3A_215 : vector<1x768xf32>
      %swap3A_217 = arith.index_cast %get3A_211 : i32 to index
      %swap3A_218 = arith.constant 0 : index
      %swap3A_219 = vector.load %arg8[%swap3A_217, %swap3A_218] : memref<2048x768xf32, #tpu.memory_space<vmem>>, vector<1x768xf32>
      tpu.vector_store %arg8[%swap3A_217, %swap3A_218], %add3A_216 {strides = array<i32>} : memref<2048x768xf32, #tpu.memory_space<vmem>>, vector<1x768xf32>,
      %get3A_220 = arith.index_cast %arg0 : i32 to index
      %get3A_221 = arith.constant 15 : index
      %get3A_222 = memref.load %arg2[%get3A_220, %get3A_221] : memref<64x32xi32, #tpu.memory_space<smem>>
      %get3A_223 = arith.index_cast %get3A_222 : i32 to index
      %get3A_224 = arith.constant 0 : index
      %get3A_225 = vector.load %arg8[%get3A_223, %get3A_224] : memref<2048x768xf32, #tpu.memory_space<vmem>>, vector<1x768xf32>
      %slice3A_226 = vector.extract_strided_slice %mul3A_57 {offsets = [15, 0], sizes = [1, 768], strides = [1, 1]} : vector<32x768xf32> to vector<1x768xf32>
      %add3A_227 = arith.addf %get3A_225, %slice3A_226 : vector<1x768xf32>
      %swap3A_228 = arith.index_cast %get3A_222 : i32 to index
      %swap3A_229 = arith.constant 0 : index
      %swap3A_230 = vector.load %arg8[%swap3A_228, %swap3A_229] : memref<2048x768xf32, #tpu.memory_space<vmem>>, vector<1x768xf32>
      tpu.vector_store %arg8[%swap3A_228, %swap3A_229], %add3A_227 {strides = array<i32>} : memref<2048x768xf32, #tpu.memory_space<vmem>>, vector<1x768xf32>,
      %get3A_231 = arith.index_cast %arg0 : i32 to index
      %get3A_232 = arith.constant 16 : index
      %get3A_233 = memref.load %arg2[%get3A_231, %get3A_232] : memref<64x32xi32, #tpu.memory_space<smem>>
      %get3A_234 = arith.index_cast %get3A_233 : i32 to index
      %get3A_235 = arith.constant 0 : index
      %get3A_236 = vector.load %arg8[%get3A_234, %get3A_235] : memref<2048x768xf32, #tpu.memory_space<vmem>>, vector<1x768xf32>
      %slice3A_237 = vector.extract_strided_slice %mul3A_57 {offsets = [16, 0], sizes = [1, 768], strides = [1, 1]} : vector<32x768xf32> to vector<1x768xf32>
      %add3A_238 = arith.addf %get3A_236, %slice3A_237 : vector<1x768xf32>
      %swap3A_239 = arith.index_cast %get3A_233 : i32 to index
      %swap3A_240 = arith.constant 0 : index
      %swap3A_241 = vector.load %arg8[%swap3A_239, %swap3A_240] : memref<2048x768xf32, #tpu.memory_space<vmem>>, vector<1x768xf32>
      tpu.vector_store %arg8[%swap3A_239, %swap3A_240], %add3A_238 {strides = array<i32>} : memref<2048x768xf32, #tpu.memory_space<vmem>>, vector<1x768xf32>,
      %get3A_242 = arith.index_cast %arg0 : i32 to index
      %get3A_243 = arith.constant 17 : index
      %get3A_244 = memref.load %arg2[%get3A_242, %get3A_243] : memref<64x32xi32, #tpu.memory_space<smem>>
      %get3A_245 = arith.index_cast %get3A_244 : i32 to index
      %get3A_246 = arith.constant 0 : index
      %get3A_247 = vector.load %arg8[%get3A_245, %get3A_246] : memref<2048x768xf32, #tpu.memory_space<vmem>>, vector<1x768xf32>
      %slice3A_248 = vector.extract_strided_slice %mul3A_57 {offsets = [17, 0], sizes = [1, 768], strides = [1, 1]} : vector<32x768xf32> to vector<1x768xf32>
      %add3A_249 = arith.addf %get3A_247, %slice3A_248 : vector<1x768xf32>
      %swap3A_250 = arith.index_cast %get3A_244 : i32 to index
      %swap3A_251 = arith.constant 0 : index
      %swap3A_252 = vector.load %arg8[%swap3A_250, %swap3A_251] : memref<2048x768xf32, #tpu.memory_space<vmem>>, vector<1x768xf32>
      tpu.vector_store %arg8[%swap3A_250, %swap3A_251], %add3A_249 {strides = array<i32>} : memref<2048x768xf32, #tpu.memory_space<vmem>>, vector<1x768xf32>,
      %get3A_253 = arith.index_cast %arg0 : i32 to index
      %get3A_254 = arith.constant 18 : index
      %get3A_255 = memref.load %arg2[%get3A_253, %get3A_254] : memref<64x32xi32, #tpu.memory_space<smem>>
      %get3A_256 = arith.index_cast %get3A_255 : i32 to index
      %get3A_257 = arith.constant 0 : index
      %get3A_258 = vector.load %arg8[%get3A_256, %get3A_257] : memref<2048x768xf32, #tpu.memory_space<vmem>>, vector<1x768xf32>
      %slice3A_259 = vector.extract_strided_slice %mul3A_57 {offsets = [18, 0], sizes = [1, 768], strides = [1, 1]} : vector<32x768xf32> to vector<1x768xf32>
      %add3A_260 = arith.addf %get3A_258, %slice3A_259 : vector<1x768xf32>
      %swap3A_261 = arith.index_cast %get3A_255 : i32 to index
      %swap3A_262 = arith.constant 0 : index
      %swap3A_263 = vector.load %arg8[%swap3A_261, %swap3A_262] : memref<2048x768xf32, #tpu.memory_space<vmem>>, vector<1x768xf32>
      tpu.vector_store %arg8[%swap3A_261, %swap3A_262], %add3A_260 {strides = array<i32>} : memref<2048x768xf32, #tpu.memory_space<vmem>>, vector<1x768xf32>,
      %get3A_264 = arith.index_cast %arg0 : i32 to index
      %get3A_265 = arith.constant 19 : index
      %get3A_266 = memref.load %arg2[%get3A_264, %get3A_265] : memref<64x32xi32, #tpu.memory_space<smem>>
      %get3A_267 = arith.index_cast %get3A_266 : i32 to index
      %get3A_268 = arith.constant 0 : index
      %get3A_269 = vector.load %arg8[%get3A_267, %get3A_268] : memref<2048x768xf32, #tpu.memory_space<vmem>>, vector<1x768xf32>
      %slice3A_270 = vector.extract_strided_slice %mul3A_57 {offsets = [19, 0], sizes = [1, 768], strides = [1, 1]} : vector<32x768xf32> to vector<1x768xf32>
      %add3A_271 = arith.addf %get3A_269, %slice3A_270 : vector<1x768xf32>
      %swap3A_272 = arith.index_cast %get3A_266 : i32 to index
      %swap3A_273 = arith.constant 0 : index
      %swap3A_274 = vector.load %arg8[%swap3A_272, %swap3A_273] : memref<2048x768xf32, #tpu.memory_space<vmem>>, vector<1x768xf32>
      tpu.vector_store %arg8[%swap3A_272, %swap3A_273], %add3A_271 {strides = array<i32>} : memref<2048x768xf32, #tpu.memory_space<vmem>>, vector<1x768xf32>,
      %get3A_275 = arith.index_cast %arg0 : i32 to index
      %get3A_276 = arith.constant 20 : index
      %get3A_277 = memref.load %arg2[%get3A_275, %get3A_276] : memref<64x32xi32, #tpu.memory_space<smem>>
      %get3A_278 = arith.index_cast %get3A_277 : i32 to index
      %get3A_279 = arith.constant 0 : index
      %get3A_280 = vector.load %arg8[%get3A_278, %get3A_279] : memref<2048x768xf32, #tpu.memory_space<vmem>>, vector<1x768xf32>
      %slice3A_281 = vector.extract_strided_slice %mul3A_57 {offsets = [20, 0], sizes = [1, 768], strides = [1, 1]} : vector<32x768xf32> to vector<1x768xf32>
      %add3A_282 = arith.addf %get3A_280, %slice3A_281 : vector<1x768xf32>
      %swap3A_283 = arith.index_cast %get3A_277 : i32 to index
      %swap3A_284 = arith.constant 0 : index
      %swap3A_285 = vector.load %arg8[%swap3A_283, %swap3A_284] : memref<2048x768xf32, #tpu.memory_space<vmem>>, vector<1x768xf32>
      tpu.vector_store %arg8[%swap3A_283, %swap3A_284], %add3A_282 {strides = array<i32>} : memref<2048x768xf32, #tpu.memory_space<vmem>>, vector<1x768xf32>,
      %get3A_286 = arith.index_cast %arg0 : i32 to index
      %get3A_287 = arith.constant 21 : index
      %get3A_288 = memref.load %arg2[%get3A_286, %get3A_287] : memref<64x32xi32, #tpu.memory_space<smem>>
      %get3A_289 = arith.index_cast %get3A_288 : i32 to index
      %get3A_290 = arith.constant 0 : index
      %get3A_291 = vector.load %arg8[%get3A_289, %get3A_290] : memref<2048x768xf32, #tpu.memory_space<vmem>>, vector<1x768xf32>
      %slice3A_292 = vector.extract_strided_slice %mul3A_57 {offsets = [21, 0], sizes = [1, 768], strides = [1, 1]} : vector<32x768xf32> to vector<1x768xf32>
      %add3A_293 = arith.addf %get3A_291, %slice3A_292 : vector<1x768xf32>
      %swap3A_294 = arith.index_cast %get3A_288 : i32 to index
      %swap3A_295 = arith.constant 0 : index
      %swap3A_296 = vector.load %arg8[%swap3A_294, %swap3A_295] : memref<2048x768xf32, #tpu.memory_space<vmem>>, vector<1x768xf32>
      tpu.vector_store %arg8[%swap3A_294, %swap3A_295], %add3A_293 {strides = array<i32>} : memref<2048x768xf32, #tpu.memory_space<vmem>>, vector<1x768xf32>,
      %get3A_297 = arith.index_cast %arg0 : i32 to index
      %get3A_298 = arith.constant 22 : index
      %get3A_299 = memref.load %arg2[%get3A_297, %get3A_298] : memref<64x32xi32, #tpu.memory_space<smem>>
      %get3A_300 = arith.index_cast %get3A_299 : i32 to index
      %get3A_301 = arith.constant 0 : index
      %get3A_302 = vector.load %arg8[%get3A_300, %get3A_301] : memref<2048x768xf32, #tpu.memory_space<vmem>>, vector<1x768xf32>
      %slice3A_303 = vector.extract_strided_slice %mul3A_57 {offsets = [22, 0], sizes = [1, 768], strides = [1, 1]} : vector<32x768xf32> to vector<1x768xf32>
      %add3A_304 = arith.addf %get3A_302, %slice3A_303 : vector<1x768xf32>
      %swap3A_305 = arith.index_cast %get3A_299 : i32 to index
      %swap3A_306 = arith.constant 0 : index
      %swap3A_307 = vector.load %arg8[%swap3A_305, %swap3A_306] : memref<2048x768xf32, #tpu.memory_space<vmem>>, vector<1x768xf32>
      tpu.vector_store %arg8[%swap3A_305, %swap3A_306], %add3A_304 {strides = array<i32>} : memref<2048x768xf32, #tpu.memory_space<vmem>>, vector<1x768xf32>,
      %get3A_308 = arith.index_cast %arg0 : i32 to index
      %get3A_309 = arith.constant 23 : index
      %get3A_310 = memref.load %arg2[%get3A_308, %get3A_309] : memref<64x32xi32, #tpu.memory_space<smem>>
      %get3A_311 = arith.index_cast %get3A_310 : i32 to index
      %get3A_312 = arith.constant 0 : index
      %get3A_313 = vector.load %arg8[%get3A_311, %get3A_312] : memref<2048x768xf32, #tpu.memory_space<vmem>>, vector<1x768xf32>
      %slice3A_314 = vector.extract_strided_slice %mul3A_57 {offsets = [23, 0], sizes = [1, 768], strides = [1, 1]} : vector<32x768xf32> to vector<1x768xf32>
      %add3A_315 = arith.addf %get3A_313, %slice3A_314 : vector<1x768xf32>
      %swap3A_316 = arith.index_cast %get3A_310 : i32 to index
      %swap3A_317 = arith.constant 0 : index
      %swap3A_318 = vector.load %arg8[%swap3A_316, %swap3A_317] : memref<2048x768xf32, #tpu.memory_space<vmem>>, vector<1x768xf32>
      tpu.vector_store %arg8[%swap3A_316, %swap3A_317], %add3A_315 {strides = array<i32>} : memref<2048x768xf32, #tpu.memory_space<vmem>>, vector<1x768xf32>,
      %get3A_319 = arith.index_cast %arg0 : i32 to index
      %get3A_320 = arith.constant 24 : index
      %get3A_321 = memref.load %arg2[%get3A_319, %get3A_320] : memref<64x32xi32, #tpu.memory_space<smem>>
      %get3A_322 = arith.index_cast %get3A_321 : i32 to index
      %get3A_323 = arith.constant 0 : index
      %get3A_324 = vector.load %arg8[%get3A_322, %get3A_323] : memref<2048x768xf32, #tpu.memory_space<vmem>>, vector<1x768xf32>
      %slice3A_325 = vector.extract_strided_slice %mul3A_57 {offsets = [24, 0], sizes = [1, 768], strides = [1, 1]} : vector<32x768xf32> to vector<1x768xf32>
      %add3A_326 = arith.addf %get3A_324, %slice3A_325 : vector<1x768xf32>
      %swap3A_327 = arith.index_cast %get3A_321 : i32 to index
      %swap3A_328 = arith.constant 0 : index
      %swap3A_329 = vector.load %arg8[%swap3A_327, %swap3A_328] : memref<2048x768xf32, #tpu.memory_space<vmem>>, vector<1x768xf32>
      tpu.vector_store %arg8[%swap3A_327, %swap3A_328], %add3A_326 {strides = array<i32>} : memref<2048x768xf32, #tpu.memory_space<vmem>>, vector<1x768xf32>,
      %get3A_330 = arith.index_cast %arg0 : i32 to index
      %get3A_331 = arith.constant 25 : index
      %get3A_332 = memref.load %arg2[%get3A_330, %get3A_331] : memref<64x32xi32, #tpu.memory_space<smem>>
      %get3A_333 = arith.index_cast %get3A_332 : i32 to index
      %get3A_334 = arith.constant 0 : index
      %get3A_335 = vector.load %arg8[%get3A_333, %get3A_334] : memref<2048x768xf32, #tpu.memory_space<vmem>>, vector<1x768xf32>
      %slice3A_336 = vector.extract_strided_slice %mul3A_57 {offsets = [25, 0], sizes = [1, 768], strides = [1, 1]} : vector<32x768xf32> to vector<1x768xf32>
      %add3A_337 = arith.addf %get3A_335, %slice3A_336 : vector<1x768xf32>
      %swap3A_338 = arith.index_cast %get3A_332 : i32 to index
      %swap3A_339 = arith.constant 0 : index
      %swap3A_340 = vector.load %arg8[%swap3A_338, %swap3A_339] : memref<2048x768xf32, #tpu.memory_space<vmem>>, vector<1x768xf32>
      tpu.vector_store %arg8[%swap3A_338, %swap3A_339], %add3A_337 {strides = array<i32>} : memref<2048x768xf32, #tpu.memory_space<vmem>>, vector<1x768xf32>,
      %get3A_341 = arith.index_cast %arg0 : i32 to index
      %get3A_342 = arith.constant 26 : index
      %get3A_343 = memref.load %arg2[%get3A_341, %get3A_342] : memref<64x32xi32, #tpu.memory_space<smem>>
      %get3A_344 = arith.index_cast %get3A_343 : i32 to index
      %get3A_345 = arith.constant 0 : index
      %get3A_346 = vector.load %arg8[%get3A_344, %get3A_345] : memref<2048x768xf32, #tpu.memory_space<vmem>>, vector<1x768xf32>
      %slice3A_347 = vector.extract_strided_slice %mul3A_57 {offsets = [26, 0], sizes = [1, 768], strides = [1, 1]} : vector<32x768xf32> to vector<1x768xf32>
      %add3A_348 = arith.addf %get3A_346, %slice3A_347 : vector<1x768xf32>
      %swap3A_349 = arith.index_cast %get3A_343 : i32 to index
      %swap3A_350 = arith.constant 0 : index
      %swap3A_351 = vector.load %arg8[%swap3A_349, %swap3A_350] : memref<2048x768xf32, #tpu.memory_space<vmem>>, vector<1x768xf32>
      tpu.vector_store %arg8[%swap3A_349, %swap3A_350], %add3A_348 {strides = array<i32>} : memref<2048x768xf32, #tpu.memory_space<vmem>>, vector<1x768xf32>,
      %get3A_352 = arith.index_cast %arg0 : i32 to index
      %get3A_353 = arith.constant 27 : index
      %get3A_354 = memref.load %arg2[%get3A_352, %get3A_353] : memref<64x32xi32, #tpu.memory_space<smem>>
      %get3A_355 = arith.index_cast %get3A_354 : i32 to index
      %get3A_356 = arith.constant 0 : index
      %get3A_357 = vector.load %arg8[%get3A_355, %get3A_356] : memref<2048x768xf32, #tpu.memory_space<vmem>>, vector<1x768xf32>
      %slice3A_358 = vector.extract_strided_slice %mul3A_57 {offsets = [27, 0], sizes = [1, 768], strides = [1, 1]} : vector<32x768xf32> to vector<1x768xf32>
      %add3A_359 = arith.addf %get3A_357, %slice3A_358 : vector<1x768xf32>
      %swap3A_360 = arith.index_cast %get3A_354 : i32 to index
      %swap3A_361 = arith.constant 0 : index
      %swap3A_362 = vector.load %arg8[%swap3A_360, %swap3A_361] : memref<2048x768xf32, #tpu.memory_space<vmem>>, vector<1x768xf32>
      tpu.vector_store %arg8[%swap3A_360, %swap3A_361], %add3A_359 {strides = array<i32>} : memref<2048x768xf32, #tpu.memory_space<vmem>>, vector<1x768xf32>,
      %get3A_363 = arith.index_cast %arg0 : i32 to index
      %get3A_364 = arith.constant 28 : index
      %get3A_365 = memref.load %arg2[%get3A_363, %get3A_364] : memref<64x32xi32, #tpu.memory_space<smem>>
      %get3A_366 = arith.index_cast %get3A_365 : i32 to index
      %get3A_367 = arith.constant 0 : index
      %get3A_368 = vector.load %arg8[%get3A_366, %get3A_367] : memref<2048x768xf32, #tpu.memory_space<vmem>>, vector<1x768xf32>
      %slice3A_369 = vector.extract_strided_slice %mul3A_57 {offsets = [28, 0], sizes = [1, 768], strides = [1, 1]} : vector<32x768xf32> to vector<1x768xf32>
      %add3A_370 = arith.addf %get3A_368, %slice3A_369 : vector<1x768xf32>
      %swap3A_371 = arith.index_cast %get3A_365 : i32 to index
      %swap3A_372 = arith.constant 0 : index
      %swap3A_373 = vector.load %arg8[%swap3A_371, %swap3A_372] : memref<2048x768xf32, #tpu.memory_space<vmem>>, vector<1x768xf32>
      tpu.vector_store %arg8[%swap3A_371, %swap3A_372], %add3A_370 {strides = array<i32>} : memref<2048x768xf32, #tpu.memory_space<vmem>>, vector<1x768xf32>,
      %get3A_374 = arith.index_cast %arg0 : i32 to index
      %get3A_375 = arith.constant 29 : index
      %get3A_376 = memref.load %arg2[%get3A_374, %get3A_375] : memref<64x32xi32, #tpu.memory_space<smem>>
      %get3A_377 = arith.index_cast %get3A_376 : i32 to index
      %get3A_378 = arith.constant 0 : index
      %get3A_379 = vector.load %arg8[%get3A_377, %get3A_378] : memref<2048x768xf32, #tpu.memory_space<vmem>>, vector<1x768xf32>
      %slice3A_380 = vector.extract_strided_slice %mul3A_57 {offsets = [29, 0], sizes = [1, 768], strides = [1, 1]} : vector<32x768xf32> to vector<1x768xf32>
      %add3A_381 = arith.addf %get3A_379, %slice3A_380 : vector<1x768xf32>
      %swap3A_382 = arith.index_cast %get3A_376 : i32 to index
      %swap3A_383 = arith.constant 0 : index
      %swap3A_384 = vector.load %arg8[%swap3A_382, %swap3A_383] : memref<2048x768xf32, #tpu.memory_space<vmem>>, vector<1x768xf32>
      tpu.vector_store %arg8[%swap3A_382, %swap3A_383], %add3A_381 {strides = array<i32>} : memref<2048x768xf32, #tpu.memory_space<vmem>>, vector<1x768xf32>,
      %get3A_385 = arith.index_cast %arg0 : i32 to index
      %get3A_386 = arith.constant 30 : index
      %get3A_387 = memref.load %arg2[%get3A_385, %get3A_386] : memref<64x32xi32, #tpu.memory_space<smem>>
      %get3A_388 = arith.index_cast %get3A_387 : i32 to index
      %get3A_389 = arith.constant 0 : index
      %get3A_390 = vector.load %arg8[%get3A_388, %get3A_389] : memref<2048x768xf32, #tpu.memory_space<vmem>>, vector<1x768xf32>
      %slice3A_391 = vector.extract_strided_slice %mul3A_57 {offsets = [30, 0], sizes = [1, 768], strides = [1, 1]} : vector<32x768xf32> to vector<1x768xf32>
      %add3A_392 = arith.addf %get3A_390, %slice3A_391 : vector<1x768xf32>
      %swap3A_393 = arith.index_cast %get3A_387 : i32 to index
      %swap3A_394 = arith.constant 0 : index
      %swap3A_395 = vector.load %arg8[%swap3A_393, %swap3A_394] : memref<2048x768xf32, #tpu.memory_space<vmem>>, vector<1x768xf32>
      tpu.vector_store %arg8[%swap3A_393, %swap3A_394], %add3A_392 {strides = array<i32>} : memref<2048x768xf32, #tpu.memory_space<vmem>>, vector<1x768xf32>,
      %get3A_396 = arith.index_cast %arg0 : i32 to index
      %get3A_397 = arith.constant 31 : index
      %get3A_398 = memref.load %arg2[%get3A_396, %get3A_397] : memref<64x32xi32, #tpu.memory_space<smem>>
      %get3A_399 = arith.index_cast %get3A_398 : i32 to index
      %get3A_400 = arith.constant 0 : index
      %get3A_401 = vector.load %arg8[%get3A_399, %get3A_400] : memref<2048x768xf32, #tpu.memory_space<vmem>>, vector<1x768xf32>
      %slice3A_402 = vector.extract_strided_slice %mul3A_57 {offsets = [31, 0], sizes = [1, 768], strides = [1, 1]} : vector<32x768xf32> to vector<1x768xf32>
      %add3A_403 = arith.addf %get3A_401, %slice3A_402 : vector<1x768xf32>
      %swap3A_404 = arith.index_cast %get3A_398 : i32 to index
      %swap3A_405 = arith.constant 0 : index
      %swap3A_406 = vector.load %arg8[%swap3A_404, %swap3A_405] : memref<2048x768xf32, #tpu.memory_space<vmem>>, vector<1x768xf32>
      tpu.vector_store %arg8[%swap3A_404, %swap3A_405], %add3A_403 {strides = array<i32>} : memref<2048x768xf32, #tpu.memory_space<vmem>>, vector<1x768xf32>,
    } else {
    }
    return
  }
  func.func @transform_0(%arg0: i32, %arg1: i32) -> (i32, i32) {
    %c0_i32 = arith.constant 0 : i32
    %c0_i32_0 = arith.constant 0 : i32
    %c0_i32_1 = arith.constant 0 : i32
    return %c0_i32, %c0_i32_0 : i32, i32
  }
  func.func @transform_1(%arg0: i32, %arg1: i32) -> (i32, i32, i32) {
    %c0_i32 = arith.constant 0 : i32
    %c0_i32_0 = arith.constant 0 : i32
    %c0_i32_1 = arith.constant 0 : i32
    return %arg0, %c0_i32, %c0_i32_0 : i32, i32, i32
  }
  func.func @transform_2(%arg0: i32, %arg1: i32) -> (i32, i32, i32) {
    %c0_i32 = arith.constant 0 : i32
    %c0_i32_0 = arith.constant 0 : i32
    %c0_i32_1 = arith.constant 0 : i32
    return %arg0, %c0_i32, %c0_i32_0 : i32, i32, i32
  }
  func.func @transform_3(%arg0: i32, %arg1: i32) -> (i32, i32, i32) {
    %c0_i32 = arith.constant 0 : i32
    %c0_i32_0 = arith.constant 0 : i32
    return %arg0, %c0_i32, %arg1 : i32, i32, i32
  }
  func.func @transform_4(%arg0: i32, %arg1: i32) -> (i32, i32, i32) {
    %c0_i32 = arith.constant 0 : i32
    %c0_i32_0 = arith.constant 0 : i32
    return %arg0, %c0_i32, %arg1 : i32, i32, i32
  }
  func.func @transform_5(%arg0: i32, %arg1: i32) -> (i32, i32, i32) {
    %c0_i32 = arith.constant 0 : i32
    %c0_i32_0 = arith.constant 0 : i32
    return %arg0, %arg1, %c0_i32 : i32, i32, i32
  }
  func.func @transform_6(%arg0: i32, %arg1: i32) -> (i32, i32) {
    %c0_i32 = arith.constant 0 : i32
    %c0_i32_0 = arith.constant 0 : i32
    %c0_i32_1 = arith.constant 0 : i32
    return %c0_i32, %c0_i32_0 : i32, i32
  }
}

</mosaic_0001>

<sc_bundles>
// kernel: kernel.4.cloned.1.call-start
scs
__scs_entry_jumppad:
0x0: {  	(pc) =	sbr.rel $0x88, $3  }
0x1: {  	(tag) =	ssettag $0x0;
	lr =	simm.s32 $0x1  }
0x2: {  	[smem:$0x3F9B] =	sst lr;
	_ =	strace $0xD0000000  }
0x3: {  	_ = 	snop  }
0x4: {  	_ = 	snop  }
0x5: {  	_ = 	snop  }
0x6: {  	_ = 	snop  }
0x7: {  	_ = 	snop  }
__scs_overlays_trampoline_lowered:
0x8: {  	[smem:$0x3FAA] =	sst s0  }
0x9: {  	[smem:$0x3FAB] =	sst s1  }
0xa: {  	[smem:$0x3FAC] =	sst s2  }
0xb: {  	[smem:$0x3FAD] =	sst s3  }
0xc: {  	[smem:$0x3FAE] =	sst s4  }
0xd: {  	[smem:$0x3FAF] =	sst s5  }
0xe: {  	[smem:$0x3FB0] =	sst s6  }
0xf: {  	[smem:$0x3FB1] =	sst s7  }
0x10: {  	[smem:$0x3FB2] =	sst s8  }
0x11: {  	[smem:$0x3FB3] =	sst s9;
	s0 =	simm.s32 @!p0 $0x0  }
0x12: {  	s1 =	sld [smem:$0x3F99];
	s0 =	simm.s32 @p0 $0x1  }
0x13: {  	[smem:$0x3FB4] =	sst s0;
	s0 =	simm.s32 @!p1 $0x0  }
0x14: {  	s2 =	sld [smem:$0x3F98];
	s0 =	simm.s32 @p1 $0x1  }
0x15: {  	[smem:$0x3FB5] =	sst s0;
	s0 =	simm.s32 @!p2 $0x0  }
0x16: {  	s3 =	sld [smem:$0x3FDB];
	s0 =	simm.s32 @p2 $0x1  }
0x17: {  	s4 =	simm.s32 $0x1BF5;
	[smem:$0x3FB7] =	sst s0  }
0x18: {  	s0 =	sld [smem:$0x3F9A];
	_ =	swait.ge [sflag:s4], $0x0  }
0x19: {  	s7 =	sld [smem:$0x3F9B]  }
0x1a: {  	s8 =	sadd.s32 $0xFFFFE003, lr  }
0x1b: {  	s9 =	sadd.s32 $0xFFFFFEF7, lr;
	s5 =	simm.s32 $0xFFFFFFFF;
	p2 =	slt.u32 s8, $0xFFFFF086  }
0x1c: {  	p1 =	slt.u32 s9, $0xF7A;
	s5 =	simm.s32 @!p2 $0x0  }
0x1d: {  	s5 =	simm.s32 @p1 $0x1;
	p0 =	seq.s32 s7, s2  }
0x1e: {  	s7 =	smul.u32 @!p0 $0xF7A, s2;
	p2 =	seq.s32 @!p0 s5, $0x0  }
0x1f: {  	s9 =	smul.u32 $0xF7A, s1;
	s8 =	simm.s32 @!p0 $0x1BF5;
	p2 =	por !p2, p0  }
0x20: {  	[sflag:s8] =	ssyncset.s32 @!p0 $0xFFFFF086;
	s6 =	sadd.s32 @!p0 s3, s7;
	s7 =	simm.s32 @!p0 $0x108  }
0x21: {  	s3 =	sadd.s32 s3, s9;
	s6 =	sadd.s32 @!p0 $0x88, s6;
	s7 =	simm.s32 @p2 $0x1082  }
0x22: {  	[simem:s7], [sflag:s8] =	dma.local @!p0 [hbm:s6], $0xF7A  }
0x23: {  	s9 =	sor.u32 $0xD0000000, s2;
	s6 =	simm.s32 $0x108;
	_ =	swait.ge @!p0 [sflag:s8], $0x0  }
0x24: {  	s3 =	sadd.s32 $0x88, s3;
	s6 =	simm.s32 @!p1 $0x1082;
	[sflag:s4] =	ssyncset.s32 $0xFFFFF086  }
0x25: {  	[simem:s6], [sflag:s4] =	dma.local [hbm:s3], $0xF7A  }
0x26: {  	[smem:$0x3F9B] =	sst s1;
	(tag) =	ssettag s2;
	_ =	strace s9  }
0x27: {  	s1 =	sld [smem:$0x3FAB]  }
0x28: {  	s2 =	sld [smem:$0x3FAC]  }
0x29: {  	s4 =	sld [smem:$0x3FAE]  }
0x2a: {  	p0 =	seq.s32 s5, $0x0;
	s5 =	sld [smem:$0x3FAF]  }
0x2b: {  	s6 =	sld [smem:$0x3FB0]  }
0x2c: {  	s7 =	sld [smem:$0x3FB1]  }
0x2d: {  	s3 =	simm.s32 $0x108;
	s8 =	sld [smem:$0x3FB2]  }
0x2e: {  	s3 =	simm.s32 @!p0 $0x1082;
	s9 =	sld [smem:$0x3FB3]  }
0x2f: {  	lr =	sadd.s32 s0, s3;
	s0 =	sld [smem:$0x3FAA]  }
0x30: {  	s3 =	sld [smem:$0x3FAD]  }
0x31: {  	[smem:$0x3FB6] =	sst s10  }
0x32: {  	s10 =	sld [smem:$0x3FB4];
	_ =	sdelay $0x3  }
0x33: {  	p0 =	seq.s32 s10, $0x1;
	s10 =	sld [smem:$0x3FB6];
	_ =	sdelay $0x3  }
0x34: {  	[smem:$0x3FB6] =	sst s10  }
0x35: {  	s10 =	sld [smem:$0x3FB5];
	_ =	sdelay $0x3  }
0x36: {  	p1 =	seq.s32 s10, $0x1;
	s10 =	sld [smem:$0x3FB6];
	_ =	sdelay $0x3  }
0x37: {  	[smem:$0x3FB6] =	sst s10  }
0x38: {  	s10 =	sld [smem:$0x3FB7]  }
0x39: {  	_ = 	snop;
	(pc) =	sbr.ind lr, $3  }
0x3a: {  	_ = 	snop  }
0x3b: {  	_ = 	snop  }
0x3c: {  	p2 =	seq.s32 s10, $0x1;
	s10 =	sld [smem:$0x3FB6]  }
0x3d: {  	_ =	shalt  }
0x3e: {  	_ =	shalt  }
0x3f: {  	_ =	shalt  }
0x40: {  	_ =	shalt  }
0x41: {  	_ =	shalt  }
0x42: {  	_ =	shalt  }
0x43: {  	_ =	shalt  }
0x44: {  	_ =	shalt  }
0x45: {  	_ =	shalt  }
0x46: {  	_ =	shalt  }
0x47: {  	_ =	shalt  }
0x48: {  	_ =	shalt  }
0x49: {  	_ =	shalt  }
0x4a: {  	_ =	shalt  }
0x4b: {  	_ =	shalt  }
0x4c: {  	_ =	shalt  }
0x4d: {  	_ =	shalt  }
0x4e: {  	_ =	shalt  }
0x4f: {  	_ =	shalt  }
0x50: {  	_ =	shalt  }
0x51: {  	_ =	shalt  }
0x52: {  	_ =	shalt  }
0x53: {  	_ =	shalt  }
0x54: {  	_ =	shalt  }
0x55: {  	_ =	shalt  }
0x56: {  	_ =	shalt  }
0x57: {  	_ =	shalt  }
0x58: {  	_ =	shalt  }
0x59: {  	_ =	shalt  }
0x5a: {  	_ =	shalt  }
0x5b: {  	_ =	shalt  }
0x5c: {  	_ =	shalt  }
0x5d: {  	_ =	shalt  }
0x5e: {  	_ =	shalt  }
0x5f: {  	_ =	shalt  }
0x60: {  	_ =	shalt  }
0x61: {  	_ =	shalt  }
0x62: {  	_ =	shalt  }
0x63: {  	_ =	shalt  }
0x64: {  	_ =	shalt  }
0x65: {  	_ =	shalt  }
0x66: {  	_ =	shalt  }
0x67: {  	_ =	shalt  }
0x68: {  	_ =	shalt  }
0x69: {  	_ =	shalt  }
0x6a: {  	_ =	shalt  }
0x6b: {  	_ =	shalt  }
0x6c: {  	_ =	shalt  }
0x6d: {  	_ =	shalt  }
0x6e: {  	_ =	shalt  }
0x6f: {  	_ =	shalt  }
0x70: {  	_ =	shalt  }
0x71: {  	_ =	shalt  }
0x72: {  	_ =	shalt  }
0x73: {  	_ =	shalt  }
0x74: {  	_ =	shalt  }
0x75: {  	_ =	shalt  }
0x76: {  	_ =	shalt  }
0x77: {  	_ =	shalt  }
0x78: {  	_ =	shalt  }
0x79: {  	_ =	shalt  }
0x7a: {  	_ =	shalt  }
0x7b: {  	_ =	shalt  }
0x7c: {  	_ =	shalt  }
0x7d: {  	_ =	shalt  }
0x7e: {  	_ =	shalt  }
0x7f: {  	_ =	shalt  }
0x80: {  	_ =	shalt  }
0x81: {  	_ =	shalt  }
0x82: {  	_ =	shalt  }
0x83: {  	_ =	shalt  }
0x84: {  	_ =	shalt  }
0x85: {  	_ =	shalt  }
0x86: {  	_ =	shalt  }
0x87: {  	_ =	shalt  }
.Lfunc_end0:
.L_simem_size_0:
called_computation_lowered:
.L_overlay_start_0:
0x88: {  	s2 =	sld [smem:$0x3FD9]  }
0x89: {  	s3 =	sld [smem:$0x3FFE];
	_ =	sdelay $0x1  }
0x8a: {  	s1 =	srdreg.scid  }
0x8b: {  	s0 =	sand.u32 $0x1, s1  }
0x8c: {  	s17 =	sshll.u32 s0, $0xA;
	s2 =	sadd.s32 s3, s2  }
0x8d: {  	s2 =	sadd.s32 s2, s17  }
0x8e: {  	[smem:$0x3FC2] =	sst s2  }
0x8f: {  	_ = 	snop  }
0x90: {  	s2 =	sld [smem:$0x3FC9]  }
0x91: {  	s18 =	sld [smem:$0x3FD0];
	(tm) =	ssettm $0x1  }
0x92: {  	s4 =	sld [smem:$0x3FFB];
	_ =	sdelay $0x3  }
0x93: {  	_ =	strace s4  }
0x94: {  	s4 =	sld [smem:$0x3FFC];
	_ =	sdelay $0x3  }
0x95: {  	_ =	strace s4  }
0x96: {  	s4 =	sld [smem:$0x3FFD];
	_ =	sdelay $0x3  }
0x97: {  	_ =	strace s4  }
0x98: {  	_ =	strace $0x8FFFFFFF  }
0x99: {  	s19 =	sld [smem:$0x3FDB];
	_ =	sdelay $0x1  }
0x9a: {  	s5 =	simm.s32 $_scs_section_size  }
0x9b: {  	s6 =	simm.s32 $_size__tile_overlayer_lowered;
	s7 =	simm.s32 $_tile_overlayer_lowered  }
0x9c: {  	s22 =	simm.s32 $0x1BFF;
	s21 =	sshll.u32 s7, $0x1;
	s4 =	sadd.s32 s5, s19  }
0x9d: {  	s8 =	simm.s32 $0x0;
	s20 =	sshll.u32 s6, $0x1;
	s6 =	sadd.s32 s21, s4  }
0x9e: {  	[timem:s8], [sflag:s22] =	dma.local [hbm:s6], s20  }
0x9f: {  	_ =	swait.ge [sflag:s22], s20  }
0xa0: {  	s5 =	ssub.s32 $0x0, s20;
	[sflag:s22] =	ssyncset.done $0x0  }
0xa1: {  	[sflag:s22] =	ssyncadd.s32 s5;
	_ =	sdelay $0x1  }
0xa2: {  	s23 =	simm.s32 $0x1B8B  }
0xa3: {  	_ =	swait.ge [sflag:s23], $0x1  }
0xa4: {  	[sflag:s23] =	ssyncset.done $0x0  }
0xa5: {  	s25 =	simm.s32 $0x1B8E;
	s24 =	sld [smem:$0x3FFE];
	[sflag:s23] =	ssyncadd.s32 $0xFFFFFFFF  }
0xa6: {  	s26 =	simm.s32 $execute0_lowered;
	[smem:$0x3FD2] =	sst s25  }
0xa7: {  	s6 =	sshll.u32 s26, $0x1;
	_ =	strace $0x80000046;
	[dreg:$0x1] =	wrdreg $0xFFFFFFFF  }
0xa8: {  	s28 =	simm.s32 $_size_execute0_lowered;
	s4 =	sadd.s32 s4, s6;
	[dreg:$0x0] =	wrdreg $0x0  }
0xa9: {  	s6 =	sshll.u32 s28, $0x1;
	[dreg:$0x2] =	wrdreg s4  }
0xaa: {  	[dreg:$0x3] =	wrdreg s6  }
0xab: {  	[dreg:$0x4] =	wrdreg $0xC0  }
0xac: {  	_ =	task [dreg:s8], $0x5FFFF  }
0xad: {  	[dreg:$0x1] =	wrdreg $0xFFFFFFFF  }
0xae: {  	[dreg:$0x0] =	wrdreg $0x60  }
0xaf: {  	[dreg:$0x2] =	wrdreg s2  }
0xb0: {  	[dreg:$0x3] =	wrdreg s24  }
0xb1: {  	[dreg:$0x4] =	wrdreg s18  }
0xb2: {  	[dreg:$0x5] =	wrdreg $0x9  }
0xb3: {  	_ =	task.clear_ibuf [dreg:s8], $0x6FFFF;
	_ =	strace $0x90000046  }
0xb4: {  	s29 =	simm.s32 $0x9;
	_ =	strace $0x80000048  }
0xb5: {  	_ =	swait.ge [sflag:s29], $0x1  }
0xb6: {  	[sflag:s29] =	ssyncadd.s32 $0xFFFFFFFF  }
0xb7: {  	_ =	strace $0x90000048  }
0xb8: {  	_ =	sfence  }
0xb9: {  	s30 =	sld [smem:$0x0];
	_ =	sdelay $0x2  }
0xba: {  	s31 =	sshll.u32 s1, $0xD;
	s1 =	sshrl.u32 s1, $0x2  }
0xbb: {  	s3 =	sand.u32 $0x4000, s31;
	s1 =	sadd.s32 s1, s30  }
0xbc: {  	s0 =	sor.u32 s3, s0;
	s1 =	sshll.u32 s1, $0x11  }
0xbd: {  	s0 =	sor.u32 s1, s0  }
0xbe: {  	s0 =	sadd.s32 $0x8F2B, s0  }
0xbf: {  	[sflag:s0] =	ssyncadd.remote.s32 $0x1  }
0xc0: {  	_ =	sfence.sel $0xFFFF  }
0xc1: {  	[dreg:$0x0] =	wrdreg $0xFFFFFFFF;
	(pc) =	sbr.abs _section_cstart, $3  }
0xc2: {  	[dreg:$0x1] =	wrdreg $0xFFFFFFFF  }
0xc3: {  	_ =	task.clear_ibuf [dreg:s8], $0x2FFFF;
	_ =	strace $0x9FFFFFFF  }
0xc4: {  	(tm) =	ssettm $0x7FFFFFFF  }
0xc5: {  	_ =	shalt  }
tec
execute0_lowered:
.L_overlay_start_1:
0x0: {  	(tag) =	ssettag $0x1  }
0x1: {  	s1 =	rddreg [dreg:$0x0]  }
0x2: {  	s0 =	rddreg [dreg:$0x1]  }
0x3: {  	s5 =	rddreg [dreg:$0x2]  }
0x4: {  	s3 =	srdreg.scid;
	s2 =	stileid.u32;
	s8 =	simm.s32 $0x80  }
0x5: {  	s26 =	simm.s32 $0x880;
	s9 =	simm.s32 $0x1080;
	s10 =	simm.s32 $0x1880  }
0x6: {  	s11 =	simm.s32 $0x2080;
	s12 =	simm.s32 $0x2880;
	s13 =	simm.s32 $0x3080  }
0x7: {  	s14 =	simm.s32 $0x3880;
	s15 =	simm.s32 $0x4080;
	s16 =	simm.s32 $0x4880  }
0x8: {  	s17 =	simm.s32 $0x5080;
	s18 =	simm.s32 $0x5880;
	s19 =	simm.s32 $0x6080  }
0x9: {  	s20 =	simm.s32 $0x6880;
	s21 =	simm.s32 $0x7080;
	s22 =	simm.s32 $0x7880  }
0xa: {  	s23 =	simm.s32 $0x8080;
	s28 =	simm.s32 $0xA080;
	s29 =	simm.s32 $0xA880  }
0xb: {  	s30 =	simm.s32 $0xB080;
	s31 =	simm.s32 $0xB880;
	s4 =	sand.u32 $0x1, s3  }
0xc: {  	s3 =	simm.s32 $0x0;
	s6 =	sshll.u32 s2, $0x4;
	s7 =	sshll.u32 s4, $0x3  }
0xd: {  	[smem:$0x7FF] =	sst s3;
	s4 =	ssub.s32 $0x2, s4;
	s6 =	sor.u32 s7, s6  }
0xe: {  	s24 =	sshrl.u32 s4, $0x1;
	_ =	strace $0x80000047;
	[dreg:$0x6] =	wrdreg s26  }
0xf: {  	s26 =	simm.s32 $0x9880;
	s0 =	sadd.s32 s6, s0;
	s6 =	smul.u32 $0x300, s6  }
0x10: {  	s7 =	ssub.s32 s4, s24;
	s4 =	sadd.s32 $0x100, s1;
	s0 =	sadd.s32 $0x600, s0  }
0x11: {  	v2 =	vlaneseq.u32;
	s24 =	simm.s32 $0x8880;
	[dreg:$0x4] =	wrdreg s0;
	s25 =	sadd.s32 s5, s6  }
0x12: {  	vm0 =	vmmov $0xffff;
	v1 =	vshrl.u32 v2, $0x3;
	s5 =	sadd.s32 $0x200, s1;
	s6 =	smax.u32 s7, $0x1;
	s7 =	simm.s32 $0x2  }
0x13: {  	v0 =	vand.u32 $0x7, v2;
	v2 =	vor.u32 $0x8, v2;
	v1 =	vmul.u32 $0x8, v1;
	s0 =	simm.s32 $0x1;
	[dreg:$0x5] =	wrdreg s25;
	s25 =	simm.s32 $0x9080  }
.LBB2_1:
0x14: {  	s2 =	rddreg [dreg:$0x4]  }
0x15: {  	[tilespmem:s3], [sflag:$0x2] =	stream.linear.gather [hbm4b:s2+s3], $0x40, $0x38;
	[tilespmem:$0xC080] =	vst v63  }
0x16: {  	_ =	swait.ge [sflag:s7], $0x40  }
0x17: {  	[sflag:s7] =	ssyncset.done $0x0  }
0x18: {  	[sflag:s7] =	ssyncadd.s32 $0xFFFFFFC0  }
0x19: {  	v3 =	vld [tilespmem:$0x0];
	_ =	sdelay $0x4  }
0x1a: {  	v4 =	vshrl.u32 v3, $0x3  }
0x1b: {  	v4 =	vmul.u32 $0x30, v4  }
0x1c: {  	v3 =	vand.u32 $0x7, v3  }
0x1d: {  	v3 =	vor.u32 v3, v4  }
0x1e: {  	v4 =	vperm.xlane v3, v0;
	_ =	sdelay $0x1  }
0x1f: {  	v4 =	vadd.s32 v1, v4;
	_ =	sdelay $0x3  }
0x20: {  	v3 =	vperm.xlane v3, v2  }
0x21: {  	[tilespmem:s8], [sflag:$0x1] =	stream.indirect_vreg.gather [hbm4b:s1+s3], $0x80, v4, vm0, $0xb8;
	[tilespmem:$0xC080] =	vst v63  }
0x22: {  	s2 =	rddreg [dreg:$0x6];
	v3 =	vadd.s32 v1, v3  }
0x23: {  	[tilespmem:s2], [sflag:$0x1] =	stream.indirect_vreg.gather [hbm4b:s4+s3], $0x80, v4, vm0, $0xb8;
	[tilespmem:$0xC080] =	vst v63  }
0x24: {  	_ = 	snop  }
0x25: {  	[tilespmem:s9], [sflag:$0x1] =	stream.indirect_vreg.gather [hbm4b:s5+s3], $0x80, v4, vm0, $0xb8;
	[tilespmem:$0xC080] =	vst v63  }
0x26: {  	_ = 	snop  }
0x27: {  	[tilespmem:s10], [sflag:$0x1] =	stream.indirect_vreg.gather [hbm4b:s1+s3], $0x80, v3, vm0, $0xb8;
	[tilespmem:$0xC080] =	vst v63  }
0x28: {  	_ = 	snop  }
0x29: {  	[tilespmem:s11], [sflag:$0x1] =	stream.indirect_vreg.gather [hbm4b:s4+s3], $0x80, v3, vm0, $0xb8;
	[tilespmem:$0xC080] =	vst v63  }
0x2a: {  	_ = 	snop  }
0x2b: {  	[tilespmem:s12], [sflag:$0x1] =	stream.indirect_vreg.gather [hbm4b:s5+s3], $0x80, v3, vm0, $0xb8;
	[tilespmem:$0xC080] =	vst v63  }
0x2c: {  	v3 =	vld [tilespmem:$0x10];
	_ =	sdelay $0x4  }
0x2d: {  	v61 =	vshrl.u32 v3, $0x3  }
0x2e: {  	v4 =	vmul.u32 $0x30, v61  }
0x2f: {  	v3 =	vand.u32 $0x7, v3  }
0x30: {  	v3 =	vor.u32 v3, v4  }
0x31: {  	v4 =	vperm.xlane v3, v0;
	_ =	sdelay $0x1  }
0x32: {  	v4 =	vadd.s32 v1, v4;
	_ =	sdelay $0x3  }
0x33: {  	v3 =	vperm.xlane v3, v2  }
0x34: {  	[tilespmem:s13], [sflag:$0x1] =	stream.indirect_vreg.gather [hbm4b:s1+s3], $0x80, v4, vm0, $0xb8;
	[tilespmem:$0xC080] =	vst v63  }
0x35: {  	v3 =	vadd.s32 v1, v3  }
0x36: {  	[tilespmem:s14], [sflag:$0x1] =	stream.indirect_vreg.gather [hbm4b:s4+s3], $0x80, v4, vm0, $0xb8;
	[tilespmem:$0xC080] =	vst v63  }
0x37: {  	_ = 	snop  }
0x38: {  	[tilespmem:s15], [sflag:$0x1] =	stream.indirect_vreg.gather [hbm4b:s5+s3], $0x80, v4, vm0, $0xb8;
	[tilespmem:$0xC080] =	vst v63  }
0x39: {  	_ = 	snop  }
0x3a: {  	[tilespmem:s16], [sflag:$0x1] =	stream.indirect_vreg.gather [hbm4b:s1+s3], $0x80, v3, vm0, $0xb8;
	[tilespmem:$0xC080] =	vst v63  }
0x3b: {  	_ = 	snop  }
0x3c: {  	[tilespmem:s17], [sflag:$0x1] =	stream.indirect_vreg.gather [hbm4b:s4+s3], $0x80, v3, vm0, $0xb8;
	[tilespmem:$0xC080] =	vst v63  }
0x3d: {  	_ = 	snop  }
0x3e: {  	[tilespmem:s18], [sflag:$0x1] =	stream.indirect_vreg.gather [hbm4b:s5+s3], $0x80, v3, vm0, $0xb8;
	[tilespmem:$0xC080] =	vst v63  }
0x3f: {  	v3 =	vld [tilespmem:$0x20];
	_ =	sdelay $0x4  }
0x40: {  	v62 =	vshrl.u32 v3, $0x3  }
0x41: {  	v4 =	vmul.u32 $0x30, v62  }
0x42: {  	v3 =	vand.u32 $0x7, v3  }
0x43: {  	v3 =	vor.u32 v3, v4  }
0x44: {  	v4 =	vperm.xlane v3, v0;
	_ =	sdelay $0x1  }
0x45: {  	v4 =	vadd.s32 v1, v4;
	_ =	sdelay $0x3  }
0x46: {  	v3 =	vperm.xlane v3, v2  }
0x47: {  	[tilespmem:s19], [sflag:$0x1] =	stream.indirect_vreg.gather [hbm4b:s1+s3], $0x80, v4, vm0, $0xb8;
	[tilespmem:$0xC080] =	vst v63  }
0x48: {  	v3 =	vadd.s32 v1, v3  }
0x49: {  	[tilespmem:s20], [sflag:$0x1] =	stream.indirect_vreg.gather [hbm4b:s4+s3], $0x80, v4, vm0, $0xb8;
	[tilespmem:$0xC080] =	vst v63  }
0x4a: {  	_ = 	snop  }
0x4b: {  	[tilespmem:s21], [sflag:$0x1] =	stream.indirect_vreg.gather [hbm4b:s5+s3], $0x80, v4, vm0, $0xb8;
	[tilespmem:$0xC080] =	vst v63  }
0x4c: {  	_ = 	snop  }
0x4d: {  	[tilespmem:s22], [sflag:$0x1] =	stream.indirect_vreg.gather [hbm4b:s1+s3], $0x80, v3, vm0, $0xb8;
	[tilespmem:$0xC080] =	vst v63  }
0x4e: {  	_ = 	snop  }
0x4f: {  	[tilespmem:s23], [sflag:$0x1] =	stream.indirect_vreg.gather [hbm4b:s4+s3], $0x80, v3, vm0, $0xb8;
	[tilespmem:$0xC080] =	vst v63  }
0x50: {  	_ = 	snop  }
0x51: {  	[tilespmem:s24], [sflag:$0x1] =	stream.indirect_vreg.gather [hbm4b:s5+s3], $0x80, v3, vm0, $0xb8;
	[tilespmem:$0xC080] =	vst v63  }
0x52: {  	v3 =	vld [tilespmem:$0x30];
	_ =	sdelay $0x4  }
0x53: {  	v63 =	vshrl.u32 v3, $0x3  }
0x54: {  	v4 =	vmul.u32 $0x30, v63  }
0x55: {  	v3 =	vand.u32 $0x7, v3  }
0x56: {  	v3 =	vor.u32 v3, v4  }
0x57: {  	v4 =	vperm.xlane v3, v0;
	_ =	sdelay $0x1  }
0x58: {  	v4 =	vadd.s32 v1, v4;
	_ =	sdelay $0x3  }
0x59: {  	v3 =	vperm.xlane v3, v2  }
0x5a: {  	[tilespmem:s25], [sflag:$0x1] =	stream.indirect_vreg.gather [hbm4b:s1+s3], $0x80, v4, vm0, $0xb8;
	[tilespmem:$0xC080] =	vst v63  }
0x5b: {  	v3 =	vadd.s32 v1, v3  }
0x5c: {  	[tilespmem:s26], [sflag:$0x1] =	stream.indirect_vreg.gather [hbm4b:s4+s3], $0x80, v4, vm0, $0xb8;
	[tilespmem:$0xC080] =	vst v63  }
0x5d: {  	_ = 	snop  }
0x5e: {  	[tilespmem:s28], [sflag:$0x1] =	stream.indirect_vreg.gather [hbm4b:s5+s3], $0x80, v4, vm0, $0xb8;
	[tilespmem:$0xC080] =	vst v63  }
0x5f: {  	_ = 	snop  }
0x60: {  	[tilespmem:s29], [sflag:$0x1] =	stream.indirect_vreg.gather [hbm4b:s1+s3], $0x80, v3, vm0, $0xb8;
	[tilespmem:$0xC080] =	vst v63  }
0x61: {  	_ = 	snop  }
0x62: {  	[tilespmem:s30], [sflag:$0x1] =	stream.indirect_vreg.gather [hbm4b:s4+s3], $0x80, v3, vm0, $0xb8;
	[tilespmem:$0xC080] =	vst v63  }
0x63: {  	_ = 	snop  }
0x64: {  	[tilespmem:s31], [sflag:$0x1] =	stream.indirect_vreg.gather [hbm4b:s5+s3], $0x80, v3, vm0, $0xb8;
	[tilespmem:$0xC080] =	vst v63  }
0x65: {  	_ =	swait.ge [sflag:s0], $0xC000  }
0x66: {  	p0 =	sne.s32 s6, $0x1;
	[sflag:s0] =	ssyncset.done $0x0  }
.Ltmp0:
0x67: {  	s2 =	rddreg [dreg:$0x5];
	[sflag:s0] =	ssyncadd.s32 $0xFFFF4000;
	(pc) =	sbr.rel @p0 .LBB2_1-.Ltmp0, $4  }
0x68: {  	[hbm4b:s2+s3] =	stream.linear.scatter [tilespmem:s8], [sflag:$0x2], $0xC000, $0x38;
	[tilespmem:$0xC080] =	vst v63  }
0x69: {  	_ =	swait.ge [sflag:s7], $0xC000  }
0x6a: {  	[sflag:s7] =	ssyncset.done $0x0  }
0x6b: {  	s6 =	sadd.s32 $0xFFFFFFFF, s6;
	[sflag:s7] =	ssyncadd.s32 $0xFFFF4000  }
0x6c: {  	_ =	sfence.sel $0x180000  }
0x6d: {  	[bflag:$0x0] =	sbarrier.arrive $0xFFFF  }
0x6e: {  	_ =	strace $0x90000047  }
0x6f: {  	s0 =	stileid.u32;
	[bflag:$0x2] =	sbarrier.arrive $0xFFFF  }
0x70: {  	p0 =	sne.s32 s0, $0x0;
	s0 =	rddreg [dreg:$0x3]  }
0x71: {  	s0 =	sadd.s32 @!p0 $0x100000, s0  }
0x72: {  	[sflag:s0] =	ssyncadd.tile.s32 @!p0 $0x1;
	_ =	shalt  }
.Lfunc_end2:
_tile_overlayer_lowered:
.L_overlay_start_2:
0x73: {  	(tag) =	ssettag $0x2  }
0x74: {  	s0 =	rddreg [dreg:$0x0];
	s2 =	stileid.u32  }
0x75: {  	s1 =	rddreg [dreg:$0x1];
	p0 =	sne.s32 s2, $0x0  }
0x76: {  	s3 =	rddreg [dreg:$0x2];
	[bflag:$0x3] =	sbarrier.arrive $0xFFFF;
	s2 =	simm.s32 @!p0 $0x1C02  }
0x77: {  	[timem:s3], [sflag:s2] =	dma.local @!p0 [hbm:s0], s1  }
0x78: {  	s0 =	simm.s32 @!p0 $0x2  }
0x79: {  	_ =	swait.ge @!p0 [sflag:s0], s1  }
0x7a: {  	s1 =	ssub.s32 @!p0 $0x0, s1;
	[sflag:s0] =	ssyncset.done @!p0 $0x0  }
0x7b: {  	[sflag:s0] =	ssyncadd.s32 @!p0 s1  }
0x7c: {  	[bflag:$0x3] =	sbarrier.arrive $0xFFFF  }
0x7d: {  	_ =	shalt  }

</sc_bundles>
